<compile_context>
chip_gen: v7x
topology: tpu7x:2x2x1
jax: 0.10.2.dev20260603
libtpu: 0.0.44.dev20260713+nightly
codegen_flags: <defaults>
</compile_context>

<pallas_src>
import functools

import jax
import jax.numpy as jnp
from jax import lax
from jax.experimental import pallas as pl
from jax.experimental.pallas import tpu as pltpu
from jax.experimental.pallas import tpu_sc as plsc

_SC_C = 256
_NW = 32


def _make_sc_fn(s_dim, b_dim, d):
    k_dim = d // 2
    span = b_dim // _NW
    nchunk = span // _SC_C
    nt = s_dim * nchunk
    mesh = plsc.VectorSubcoreMesh(core_axis_name="c", subcore_axis_name="s")

    @functools.partial(
        pl.kernel,
        out_type=jax.ShapeDtypeStruct((s_dim, k_dim, b_dim), jnp.float32),
        mesh=mesh,
        scratch_types=[
            pltpu.VMEM((_SC_C * d,), jnp.float32),
            pltpu.VMEM((_SC_C * d,), jnp.float32),
            pltpu.VMEM((k_dim, _SC_C), jnp.float32),
            pltpu.VMEM((k_dim, _SC_C), jnp.float32),
            pltpu.SemaphoreType.DMA,
            pltpu.SemaphoreType.DMA,
            pltpu.SemaphoreType.DMA,
            pltpu.SemaphoreType.DMA,
        ],
        compiler_params=pltpu.CompilerParams(needs_layout_passes=False),
    )
    def sc_fn(in_hbm, out_hbm, in0, in1, out0, out1, isem0, isem1, osem0, osem1):
        wid = lax.axis_index("s") * 2 + lax.axis_index("c")
        base = wid * span

        def in_copy(t, buf, sem):
            s = t // nchunk
            b0 = base + lax.rem(t, nchunk) * _SC_C
            return pltpu.make_async_copy(
                in_hbm.at[pl.ds((s * b_dim + b0) * d, _SC_C * d)], buf, sem
            )

        def out_copy(t, buf, sem):
            s = t // nchunk
            b0 = base + lax.rem(t, nchunk) * _SC_C
            return pltpu.make_async_copy(
                buf, out_hbm.at[s, :, pl.ds(b0, _SC_C)], sem
            )

        rowbase = [(lax.iota(jnp.int32, 16) + g * 16) * d for g in range(_SC_C // 16)]

        def gather_chunk(inb, outb):
            @plsc.parallel_loop(0, k_dim, 1, unroll=8)
            def _(k):
                col = 2 * k
                for g in range(_SC_C // 16):
                    vals = plsc.load_gather(inb, [rowbase[g] + col])
                    outb[k, pl.ds(g * 16, 16)] = vals

        in_copy(0, in0, isem0).start()

        def body(u, carry):
            t0 = 2 * u

            @pl.when(t0 + 1 < nt)
            def _():
                in_copy(t0 + 1, in1, isem1).start()

            in_copy(t0, in0, isem0).wait()

            @pl.when(u >= 1)
            def _():
                out_copy(t0 - 2, out0, osem0).wait()

            gather_chunk(in0, out0)
            out_copy(t0, out0, osem0).start()

            @pl.when(t0 + 2 < nt)
            def _():
                in_copy(t0 + 2, in0, isem0).start()

            @pl.when(t0 + 1 < nt)
            def _():
                in_copy(t0 + 1, in1, isem1).wait()

                @pl.when(u >= 1)
                def _():
                    out_copy(t0 - 1, out1, osem1).wait()

                gather_chunk(in1, out1)
                out_copy(t0 + 1, out1, osem1).start()

            return carry

        lax.fori_loop(0, (nt + 1) // 2, body, 0)
        out_copy(nt - 2, out0, osem0).wait()
        out_copy(nt - 1, out1, osem1).wait()

    return sc_fn


def kernel(inputs):
    b, s, d = inputs.shape
    xt = jnp.transpose(inputs, (1, 0, 2)).reshape(-1)
    yt = _make_sc_fn(s, b, d)(xt)
    return jnp.transpose(yt, (2, 0, 1))

# --- scband reference (transcript-rebuilt; emitter-appended) ---
"""Pipeline reference for scband-slice-layer-88699664597298 (READ-ONLY COPY).

The authoritative reference and input builder live on the scoring server;
editing this copy changes nothing except your own understanding.
"""

import jax, jax.numpy as jnp
import numpy as np

INDICES = jnp.array([0, 2, 4, 6, 8, 10, 12, 14, 16, 18, 20, 22, 24, 26, 28, 30, 32, 34, 36, 38, 40, 42, 44, 46, 48, 50, 52, 54, 56, 58, 60, 62, 64, 66, 68, 70, 72, 74, 76, 78, 80, 82, 84, 86, 88, 90, 92, 94, 96, 98, 100, 102, 104, 106, 108, 110, 112, 114, 116, 118, 120, 122, 124, 126], dtype=jnp.int32)


def setup_inputs(seed: int = 0) -> dict:
    key = jax.random.key(seed)
    inputs = jax.random.normal(key, (16384, 26, 128), dtype=jnp.float32)
    return {"inputs": inputs}


def reference(inputs):
    # SliceLayer.call: tf.gather(inputs, self.indices, axis=-1)
    return jnp.take(inputs, INDICES, axis=-1)

if __name__ == "__main__":
    import jax
    _d = setup_inputs()
    print(jax.jit(kernel)(*tuple(_d.values())))

</pallas_src>

<mosaic_0001>
#map = affine_map<(d0, d1) -> (0)>
#map1 = affine_map<(d0, d1) -> (0, 0, 0)>
module attributes {stable_mosaic.version = 14 : i64} {
  func.func @sc_fn(%arg0: i32, %arg1: i32, %arg2: memref<54525952xf32, #tpu.memory_space<hbm>>, %arg3: memref<26x64x16384xf32, #tpu.memory_space<hbm>>, %arg4: memref<32768xf32, #tpu.memory_space<vmem>>, %arg5: memref<32768xf32, #tpu.memory_space<vmem>>, %arg6: memref<64x256xf32, #tpu.memory_space<vmem>>, %arg7: memref<64x256xf32, #tpu.memory_space<vmem>>, %arg8: memref<!tpu.dma_semaphore, #tpu.memory_space<semaphore_mem>>, %arg9: memref<!tpu.dma_semaphore, #tpu.memory_space<semaphore_mem>>, %arg10: memref<!tpu.dma_semaphore, #tpu.memory_space<semaphore_mem>>, %arg11: memref<!tpu.dma_semaphore, #tpu.memory_space<semaphore_mem>>) attributes {dimension_semantics = [#tpu.dimension_semantics<core_parallel>, #tpu.dimension_semantics<subcore_parallel>], iteration_bounds = array<i64: 2, 16>, scalar_prefetch = 0 : i64, scratch_operands = 8 : i64, tpu.core_type = #tpu.core_type<sc_vector_subcore>, window_params = [{transform_indices = #map}, {transform_indices = #map1}]} {
    %mul3A = arith.constant 2 : i32
    %mul3A_0 = arith.muli %arg1, %mul3A : i32
    %add3A = arith.addi %mul3A_0, %arg0 : i32
    %mul3A_1 = arith.constant 512 : i32
    %mul3A_2 = arith.muli %add3A, %mul3A_1 : i32
    %iota3A = tpu.iota {dimensions = array<i32: 0>} : vector<16xi32>
    %add3A_3 = arith.constant 0 : i32
    %add3A_4 = vector.broadcast %add3A_3 : i32 to vector<16xi32>
    %add3A_5 = arith.addi %iota3A, %add3A_4 : vector<16xi32>
    %mul3A_6 = arith.constant 128 : i32
    %mul3A_7 = vector.broadcast %mul3A_6 : i32 to vector<16xi32>
    %mul3A_8 = arith.muli %add3A_5, %mul3A_7 : vector<16xi32>
    %iota3A_9 = tpu.iota {dimensions = array<i32: 0>} : vector<16xi32>
    %add3A_10 = arith.constant 16 : i32
    %add3A_11 = vector.broadcast %add3A_10 : i32 to vector<16xi32>
    %add3A_12 = arith.addi %iota3A_9, %add3A_11 : vector<16xi32>
    %mul3A_13 = arith.constant 128 : i32
    %mul3A_14 = vector.broadcast %mul3A_13 : i32 to vector<16xi32>
    %mul3A_15 = arith.muli %add3A_12, %mul3A_14 : vector<16xi32>
    %iota3A_16 = tpu.iota {dimensions = array<i32: 0>} : vector<16xi32>
    %add3A_17 = arith.constant 32 : i32
    %add3A_18 = vector.broadcast %add3A_17 : i32 to vector<16xi32>
    %add3A_19 = arith.addi %iota3A_16, %add3A_18 : vector<16xi32>
    %mul3A_20 = arith.constant 128 : i32
    %mul3A_21 = vector.broadcast %mul3A_20 : i32 to vector<16xi32>
    %mul3A_22 = arith.muli %add3A_19, %mul3A_21 : vector<16xi32>
    %iota3A_23 = tpu.iota {dimensions = array<i32: 0>} : vector<16xi32>
    %add3A_24 = arith.constant 48 : i32
    %add3A_25 = vector.broadcast %add3A_24 : i32 to vector<16xi32>
    %add3A_26 = arith.addi %iota3A_23, %add3A_25 : vector<16xi32>
    %mul3A_27 = arith.constant 128 : i32
    %mul3A_28 = vector.broadcast %mul3A_27 : i32 to vector<16xi32>
    %mul3A_29 = arith.muli %add3A_26, %mul3A_28 : vector<16xi32>
    %iota3A_30 = tpu.iota {dimensions = array<i32: 0>} : vector<16xi32>
    %add3A_31 = arith.constant 64 : i32
    %add3A_32 = vector.broadcast %add3A_31 : i32 to vector<16xi32>
    %add3A_33 = arith.addi %iota3A_30, %add3A_32 : vector<16xi32>
    %mul3A_34 = arith.constant 128 : i32
    %mul3A_35 = vector.broadcast %mul3A_34 : i32 to vector<16xi32>
    %mul3A_36 = arith.muli %add3A_33, %mul3A_35 : vector<16xi32>
    %iota3A_37 = tpu.iota {dimensions = array<i32: 0>} : vector<16xi32>
    %add3A_38 = arith.constant 80 : i32
    %add3A_39 = vector.broadcast %add3A_38 : i32 to vector<16xi32>
    %add3A_40 = arith.addi %iota3A_37, %add3A_39 : vector<16xi32>
    %mul3A_41 = arith.constant 128 : i32
    %mul3A_42 = vector.broadcast %mul3A_41 : i32 to vector<16xi32>
    %mul3A_43 = arith.muli %add3A_40, %mul3A_42 : vector<16xi32>
    %iota3A_44 = tpu.iota {dimensions = array<i32: 0>} : vector<16xi32>
    %add3A_45 = arith.constant 96 : i32
    %add3A_46 = vector.broadcast %add3A_45 : i32 to vector<16xi32>
    %add3A_47 = arith.addi %iota3A_44, %add3A_46 : vector<16xi32>
    %mul3A_48 = arith.constant 128 : i32
    %mul3A_49 = vector.broadcast %mul3A_48 : i32 to vector<16xi32>
    %mul3A_50 = arith.muli %add3A_47, %mul3A_49 : vector<16xi32>
    %iota3A_51 = tpu.iota {dimensions = array<i32: 0>} : vector<16xi32>
    %add3A_52 = arith.constant 112 : i32
    %add3A_53 = vector.broadcast %add3A_52 : i32 to vector<16xi32>
    %add3A_54 = arith.addi %iota3A_51, %add3A_53 : vector<16xi32>
    %mul3A_55 = arith.constant 128 : i32
    %mul3A_56 = vector.broadcast %mul3A_55 : i32 to vector<16xi32>
    %mul3A_57 = arith.muli %add3A_54, %mul3A_56 : vector<16xi32>
    %iota3A_58 = tpu.iota {dimensions = array<i32: 0>} : vector<16xi32>
    %add3A_59 = arith.constant 128 : i32
    %add3A_60 = vector.broadcast %add3A_59 : i32 to vector<16xi32>
    %add3A_61 = arith.addi %iota3A_58, %add3A_60 : vector<16xi32>
    %mul3A_62 = arith.constant 128 : i32
    %mul3A_63 = vector.broadcast %mul3A_62 : i32 to vector<16xi32>
    %mul3A_64 = arith.muli %add3A_61, %mul3A_63 : vector<16xi32>
    %iota3A_65 = tpu.iota {dimensions = array<i32: 0>} : vector<16xi32>
    %add3A_66 = arith.constant 144 : i32
    %add3A_67 = vector.broadcast %add3A_66 : i32 to vector<16xi32>
    %add3A_68 = arith.addi %iota3A_65, %add3A_67 : vector<16xi32>
    %mul3A_69 = arith.constant 128 : i32
    %mul3A_70 = vector.broadcast %mul3A_69 : i32 to vector<16xi32>
    %mul3A_71 = arith.muli %add3A_68, %mul3A_70 : vector<16xi32>
    %iota3A_72 = tpu.iota {dimensions = array<i32: 0>} : vector<16xi32>
    %add3A_73 = arith.constant 160 : i32
    %add3A_74 = vector.broadcast %add3A_73 : i32 to vector<16xi32>
    %add3A_75 = arith.addi %iota3A_72, %add3A_74 : vector<16xi32>
    %mul3A_76 = arith.constant 128 : i32
    %mul3A_77 = vector.broadcast %mul3A_76 : i32 to vector<16xi32>
    %mul3A_78 = arith.muli %add3A_75, %mul3A_77 : vector<16xi32>
    %iota3A_79 = tpu.iota {dimensions = array<i32: 0>} : vector<16xi32>
    %add3A_80 = arith.constant 176 : i32
    %add3A_81 = vector.broadcast %add3A_80 : i32 to vector<16xi32>
    %add3A_82 = arith.addi %iota3A_79, %add3A_81 : vector<16xi32>
    %mul3A_83 = arith.constant 128 : i32
    %mul3A_84 = vector.broadcast %mul3A_83 : i32 to vector<16xi32>
    %mul3A_85 = arith.muli %add3A_82, %mul3A_84 : vector<16xi32>
    %iota3A_86 = tpu.iota {dimensions = array<i32: 0>} : vector<16xi32>
    %add3A_87 = arith.constant 192 : i32
    %add3A_88 = vector.broadcast %add3A_87 : i32 to vector<16xi32>
    %add3A_89 = arith.addi %iota3A_86, %add3A_88 : vector<16xi32>
    %mul3A_90 = arith.constant 128 : i32
    %mul3A_91 = vector.broadcast %mul3A_90 : i32 to vector<16xi32>
    %mul3A_92 = arith.muli %add3A_89, %mul3A_91 : vector<16xi32>
    %iota3A_93 = tpu.iota {dimensions = array<i32: 0>} : vector<16xi32>
    %add3A_94 = arith.constant 208 : i32
    %add3A_95 = vector.broadcast %add3A_94 : i32 to vector<16xi32>
    %add3A_96 = arith.addi %iota3A_93, %add3A_95 : vector<16xi32>
    %mul3A_97 = arith.constant 128 : i32
    %mul3A_98 = vector.broadcast %mul3A_97 : i32 to vector<16xi32>
    %mul3A_99 = arith.muli %add3A_96, %mul3A_98 : vector<16xi32>
    %iota3A_100 = tpu.iota {dimensions = array<i32: 0>} : vector<16xi32>
    %add3A_101 = arith.constant 224 : i32
    %add3A_102 = vector.broadcast %add3A_101 : i32 to vector<16xi32>
    %add3A_103 = arith.addi %iota3A_100, %add3A_102 : vector<16xi32>
    %mul3A_104 = arith.constant 128 : i32
    %mul3A_105 = vector.broadcast %mul3A_104 : i32 to vector<16xi32>
    %mul3A_106 = arith.muli %add3A_103, %mul3A_105 : vector<16xi32>
    %iota3A_107 = tpu.iota {dimensions = array<i32: 0>} : vector<16xi32>
    %add3A_108 = arith.constant 240 : i32
    %add3A_109 = vector.broadcast %add3A_108 : i32 to vector<16xi32>
    %add3A_110 = arith.addi %iota3A_107, %add3A_109 : vector<16xi32>
    %mul3A_111 = arith.constant 128 : i32
    %mul3A_112 = vector.broadcast %mul3A_111 : i32 to vector<16xi32>
    %mul3A_113 = arith.muli %add3A_110, %mul3A_112 : vector<16xi32>
    %rem3A = arith.constant 0 : i32
    %rem3A_114 = arith.constant 2 : i32
    %rem3A_115 = arith.remsi %rem3A, %rem3A_114 : i32
    %mul3A_116 = arith.constant 256 : i32
    %mul3A_117 = arith.muli %rem3A_115, %mul3A_116 : i32
    %add3A_118 = arith.addi %mul3A_2, %mul3A_117 : i32
    %add3A_119 = arith.constant 0 : i32
    %add3A_120 = arith.addi %add3A_119, %add3A_118 : i32
    %mul3A_121 = arith.constant 128 : i32
    %mul3A_122 = arith.muli %add3A_120, %mul3A_121 : i32
    %dma_start3A = tpu.memref_slice %arg2[%mul3A_122] : memref<54525952xf32, #tpu.memory_space<hbm>> -> memref<32768xf32, #tpu.memory_space<hbm>>
    %dma_start3A_123 = tpu.memref_slice %arg2[%mul3A_122] : memref<54525952xf32, #tpu.memory_space<hbm>> -> memref<32768xf32, #tpu.memory_space<hbm>>
    tpu.enqueue_dma source(%dma_start3A_123 : memref<32768xf32, #tpu.memory_space<hbm>>) target(%arg4 : memref<32768xf32, #tpu.memory_space<vmem>>) target_semaphore(%arg8 : memref<!tpu.dma_semaphore, #tpu.memory_space<semaphore_mem>>)
    %scan3A = arith.constant 0 : i32
    %scan3A_124 = arith.constant 0 : i32
    %scan3A_125 = arith.constant 26 : i32
    %scan3A_126 = arith.addi %scan3A_124, %scan3A_125 : i32
    %scan3A_127 = arith.constant 1 : i32
    scf.for %scan3A_154 = %scan3A_124 to %scan3A_126 step %scan3A_127  : i32 {
      %mul3A_155 = arith.constant 2 : i32
      %mul3A_156 = arith.muli %mul3A_155, %scan3A_154 : i32
      %add3A_157 = arith.constant 1 : i32
      %add3A_158 = arith.addi %mul3A_156, %add3A_157 : i32
      %lt3A = arith.constant 52 : i32
      %lt3A_159 = arith.cmpi slt, %add3A_158, %lt3A : i32
      %convert_element_type3A = arith.extui %lt3A_159 : i1 to i32
      %cond3A = arith.constant 0 : i32
      %cond3A_160 = arith.cmpi ne, %convert_element_type3A, %cond3A : i32
      scf.if %cond3A_160 {
        %add3A_245 = arith.constant 1 : i32
        %add3A_246 = arith.addi %mul3A_156, %add3A_245 : i32
        %jit3A_247 = arith.constant 2 : i32
        %div3A_248 = arith.divsi %add3A_246, %jit3A_247 : i32
        %sign3A_249 = arith.constant 0 : i32
        %sign3A_250 = arith.cmpi sgt, %add3A_246, %sign3A_249 : i32
        %sign3A_251 = arith.extui %sign3A_250 : i1 to i32
        %sign3A_252 = arith.constant 0 : i32
        %sign3A_253 = arith.cmpi slt, %add3A_246, %sign3A_252 : i32
        %sign3A_254 = arith.extui %sign3A_253 : i1 to i32
        %sign3A_255 = arith.subi %sign3A_251, %sign3A_254 : i32
        %sign3A_256 = arith.constant 0 : i32
        %sign3A_257 = arith.cmpi sgt, %jit3A_247, %sign3A_256 : i32
        %sign3A_258 = arith.extui %sign3A_257 : i1 to i32
        %sign3A_259 = arith.constant 0 : i32
        %sign3A_260 = arith.cmpi slt, %jit3A_247, %sign3A_259 : i32
        %sign3A_261 = arith.extui %sign3A_260 : i1 to i32
        %sign3A_262 = arith.subi %sign3A_258, %sign3A_261 : i32
        %ne3A_263 = arith.cmpi ne, %sign3A_255, %sign3A_262 : i32
        %rem3A_264 = arith.remsi %add3A_246, %jit3A_247 : i32
        %ne3A_265 = arith.constant 0 : i32
        %ne3A_266 = arith.cmpi ne, %rem3A_264, %ne3A_265 : i32
        %and3A_267 = arith.andi %ne3A_263, %ne3A_266 : i1
        %sub3A_268 = arith.constant 1 : i32
        %sub3A_269 = arith.subi %div3A_248, %sub3A_268 : i32
        %select_n3A_270 = arith.select %and3A_267, %sub3A_269, %div3A_248 : i32
        %rem3A_271 = arith.constant 2 : i32
        %rem3A_272 = arith.remsi %add3A_246, %rem3A_271 : i32
        %mul3A_273 = arith.constant 256 : i32
        %mul3A_274 = arith.muli %rem3A_272, %mul3A_273 : i32
        %add3A_275 = arith.addi %mul3A_2, %mul3A_274 : i32
        %mul3A_276 = arith.constant 16384 : i32
        %mul3A_277 = arith.muli %select_n3A_270, %mul3A_276 : i32
        %add3A_278 = arith.addi %mul3A_277, %add3A_275 : i32
        %mul3A_279 = arith.constant 128 : i32
        %mul3A_280 = arith.muli %add3A_278, %mul3A_279 : i32
        %dma_start3A_281 = tpu.memref_slice %arg2[%mul3A_280] : memref<54525952xf32, #tpu.memory_space<hbm>> -> memref<32768xf32, #tpu.memory_space<hbm>>
        %dma_start3A_282 = tpu.memref_slice %arg2[%mul3A_280] : memref<54525952xf32, #tpu.memory_space<hbm>> -> memref<32768xf32, #tpu.memory_space<hbm>>
        tpu.enqueue_dma source(%dma_start3A_282 : memref<32768xf32, #tpu.memory_space<hbm>>) target(%arg5 : memref<32768xf32, #tpu.memory_space<vmem>>) target_semaphore(%arg9 : memref<!tpu.dma_semaphore, #tpu.memory_space<semaphore_mem>>)
      } else {
      }
      %jit3A = arith.constant 2 : i32
      %div3A = arith.divsi %mul3A_156, %jit3A : i32
      %sign3A = arith.constant 0 : i32
      %sign3A_161 = arith.cmpi sgt, %mul3A_156, %sign3A : i32
      %sign3A_162 = arith.extui %sign3A_161 : i1 to i32
      %sign3A_163 = arith.constant 0 : i32
      %sign3A_164 = arith.cmpi slt, %mul3A_156, %sign3A_163 : i32
      %sign3A_165 = arith.extui %sign3A_164 : i1 to i32
      %sign3A_166 = arith.subi %sign3A_162, %sign3A_165 : i32
      %sign3A_167 = arith.constant 0 : i32
      %sign3A_168 = arith.cmpi sgt, %jit3A, %sign3A_167 : i32
      %sign3A_169 = arith.extui %sign3A_168 : i1 to i32
      %sign3A_170 = arith.constant 0 : i32
      %sign3A_171 = arith.cmpi slt, %jit3A, %sign3A_170 : i32
      %sign3A_172 = arith.extui %sign3A_171 : i1 to i32
      %sign3A_173 = arith.subi %sign3A_169, %sign3A_172 : i32
      %ne3A = arith.cmpi ne, %sign3A_166, %sign3A_173 : i32
      %rem3A_174 = arith.remsi %mul3A_156, %jit3A : i32
      %ne3A_175 = arith.constant 0 : i32
      %ne3A_176 = arith.cmpi ne, %rem3A_174, %ne3A_175 : i32
      %and3A = arith.andi %ne3A, %ne3A_176 : i1
      %sub3A = arith.constant 1 : i32
      %sub3A_177 = arith.subi %div3A, %sub3A : i32
      %select_n3A = arith.select %and3A, %sub3A_177, %div3A : i32
      %rem3A_178 = arith.constant 2 : i32
      %rem3A_179 = arith.remsi %mul3A_156, %rem3A_178 : i32
      %mul3A_180 = arith.constant 256 : i32
      %mul3A_181 = arith.muli %rem3A_179, %mul3A_180 : i32
      %add3A_182 = arith.addi %mul3A_2, %mul3A_181 : i32
      %mul3A_183 = arith.constant 16384 : i32
      %mul3A_184 = arith.muli %select_n3A, %mul3A_183 : i32
      %add3A_185 = arith.addi %mul3A_184, %add3A_182 : i32
      %mul3A_186 = arith.constant 128 : i32
      %mul3A_187 = arith.muli %add3A_185, %mul3A_186 : i32
      %dma_wait3A_188 = tpu.memref_slice %arg2[%mul3A_187] : memref<54525952xf32, #tpu.memory_space<hbm>> -> memref<32768xf32, #tpu.memory_space<hbm>>
      %dma_wait3A_189 = tpu.memref_slice %arg2[%mul3A_187] : memref<54525952xf32, #tpu.memory_space<hbm>> -> memref<32768xf32, #tpu.memory_space<hbm>>
      tpu.wait_dma2 semaphore(%arg8 : memref<!tpu.dma_semaphore, #tpu.memory_space<semaphore_mem>>) src(%dma_wait3A_189 : memref<32768xf32, #tpu.memory_space<hbm>>) dst(%arg4 : memref<32768xf32, #tpu.memory_space<vmem>>)
      %ge3A = arith.constant 1 : i32
      %ge3A_190 = arith.cmpi sge, %scan3A_154, %ge3A : i32
      %convert_element_type3A_191 = arith.extui %ge3A_190 : i1 to i32
      %cond3A_192 = arith.constant 0 : i32
      %cond3A_193 = arith.cmpi ne, %convert_element_type3A_191, %cond3A_192 : i32
      scf.if %cond3A_193 {
        %sub3A_245 = arith.constant 2 : i32
        %sub3A_246 = arith.subi %mul3A_156, %sub3A_245 : i32
        %jit3A_247 = arith.constant 2 : i32
        %div3A_248 = arith.divsi %sub3A_246, %jit3A_247 : i32
        %sign3A_249 = arith.constant 0 : i32
        %sign3A_250 = arith.cmpi sgt, %sub3A_246, %sign3A_249 : i32
        %sign3A_251 = arith.extui %sign3A_250 : i1 to i32
        %sign3A_252 = arith.constant 0 : i32
        %sign3A_253 = arith.cmpi slt, %sub3A_246, %sign3A_252 : i32
        %sign3A_254 = arith.extui %sign3A_253 : i1 to i32
        %sign3A_255 = arith.subi %sign3A_251, %sign3A_254 : i32
        %sign3A_256 = arith.constant 0 : i32
        %sign3A_257 = arith.cmpi sgt, %jit3A_247, %sign3A_256 : i32
        %sign3A_258 = arith.extui %sign3A_257 : i1 to i32
        %sign3A_259 = arith.constant 0 : i32
        %sign3A_260 = arith.cmpi slt, %jit3A_247, %sign3A_259 : i32
        %sign3A_261 = arith.extui %sign3A_260 : i1 to i32
        %sign3A_262 = arith.subi %sign3A_258, %sign3A_261 : i32
        %ne3A_263 = arith.cmpi ne, %sign3A_255, %sign3A_262 : i32
        %rem3A_264 = arith.remsi %sub3A_246, %jit3A_247 : i32
        %ne3A_265 = arith.constant 0 : i32
        %ne3A_266 = arith.cmpi ne, %rem3A_264, %ne3A_265 : i32
        %and3A_267 = arith.andi %ne3A_263, %ne3A_266 : i1
        %sub3A_268 = arith.constant 1 : i32
        %sub3A_269 = arith.subi %div3A_248, %sub3A_268 : i32
        %select_n3A_270 = arith.select %and3A_267, %sub3A_269, %div3A_248 : i32
        %rem3A_271 = arith.constant 2 : i32
        %rem3A_272 = arith.remsi %sub3A_246, %rem3A_271 : i32
        %mul3A_273 = arith.constant 256 : i32
        %mul3A_274 = arith.muli %rem3A_272, %mul3A_273 : i32
        %add3A_275 = arith.addi %mul3A_2, %mul3A_274 : i32
        %dma_wait3A_276 = arith.constant 0 : i32
        %dma_wait3A_277 = tpu.memref_slice %arg3[%select_n3A_270, %dma_wait3A_276, %add3A_275] : memref<26x64x16384xf32, #tpu.memory_space<hbm>> -> memref<1x64x256xf32, #tpu.memory_space<hbm>>
        %dma_wait3A_278 = tpu.memref_squeeze %dma_wait3A_277 : memref<1x64x256xf32, #tpu.memory_space<hbm>> -> memref<64x256xf32, #tpu.memory_space<hbm>>
        %dma_wait3A_279 = arith.constant 0 : i32
        %dma_wait3A_280 = tpu.memref_slice %arg3[%select_n3A_270, %dma_wait3A_279, %add3A_275] : memref<26x64x16384xf32, #tpu.memory_space<hbm>> -> memref<1x64x256xf32, #tpu.memory_space<hbm>>
        %dma_wait3A_281 = tpu.memref_squeeze %dma_wait3A_280 : memref<1x64x256xf32, #tpu.memory_space<hbm>> -> memref<64x256xf32, #tpu.memory_space<hbm>>
        tpu.wait_dma2 semaphore(%arg10 : memref<!tpu.dma_semaphore, #tpu.memory_space<semaphore_mem>>) src(%arg6 : memref<64x256xf32, #tpu.memory_space<vmem>>) dst(%dma_wait3A_281 : memref<64x256xf32, #tpu.memory_space<hbm>>)
      } else {
      }
      %parallel_loop3A = arith.constant 0 : i32
      %parallel_loop3A_194 = arith.constant 64 : i32
      %parallel_loop3A_195 = arith.constant 1 : i32
      scf.for %parallel_loop3A_245 = %parallel_loop3A to %parallel_loop3A_194 step %parallel_loop3A_195  : i32 {
        %parallel_loop3A_246 = arith.constant 2 : i32
        %parallel_loop3A_247 = arith.muli %parallel_loop3A_246, %parallel_loop3A_245 : i32
        %parallel_loop3A_248 = vector.broadcast %parallel_loop3A_247 : i32 to vector<16xi32>
        %parallel_loop3A_249 = arith.addi %mul3A_8, %parallel_loop3A_248 : vector<16xi32>
        %parallel_loop3A_250 = tpu.vector_load_idx %arg4[%parallel_loop3A_249] : memref<32768xf32, #tpu.memory_space<vmem>>[vector<16xi32>], vector<16xf32>,
        %parallel_loop3A_251 = arith.index_cast %parallel_loop3A_245 : i32 to index
        %parallel_loop3A_252 = arith.constant 0 : index
        %parallel_loop3A_253 = tpu.vector_load %arg6[%parallel_loop3A_251, %parallel_loop3A_252] {strides = array<i32>} : memref<64x256xf32, #tpu.memory_space<vmem>>, vector<16xf32>,
        tpu.vector_store %arg6[%parallel_loop3A_251, %parallel_loop3A_252], %parallel_loop3A_250 {strides = array<i32>} : memref<64x256xf32, #tpu.memory_space<vmem>>, vector<16xf32>,
        %parallel_loop3A_254 = vector.broadcast %parallel_loop3A_247 : i32 to vector<16xi32>
        %parallel_loop3A_255 = arith.addi %mul3A_15, %parallel_loop3A_254 : vector<16xi32>
        %parallel_loop3A_256 = tpu.vector_load_idx %arg4[%parallel_loop3A_255] : memref<32768xf32, #tpu.memory_space<vmem>>[vector<16xi32>], vector<16xf32>,
        %parallel_loop3A_257 = arith.index_cast %parallel_loop3A_245 : i32 to index
        %parallel_loop3A_258 = arith.constant 16 : index
        %parallel_loop3A_259 = tpu.vector_load %arg6[%parallel_loop3A_257, %parallel_loop3A_258] {strides = array<i32>} : memref<64x256xf32, #tpu.memory_space<vmem>>, vector<16xf32>,
        tpu.vector_store %arg6[%parallel_loop3A_257, %parallel_loop3A_258], %parallel_loop3A_256 {strides = array<i32>} : memref<64x256xf32, #tpu.memory_space<vmem>>, vector<16xf32>,
        %parallel_loop3A_260 = vector.broadcast %parallel_loop3A_247 : i32 to vector<16xi32>
        %parallel_loop3A_261 = arith.addi %mul3A_22, %parallel_loop3A_260 : vector<16xi32>
        %parallel_loop3A_262 = tpu.vector_load_idx %arg4[%parallel_loop3A_261] : memref<32768xf32, #tpu.memory_space<vmem>>[vector<16xi32>], vector<16xf32>,
        %parallel_loop3A_263 = arith.index_cast %parallel_loop3A_245 : i32 to index
        %parallel_loop3A_264 = arith.constant 32 : index
        %parallel_loop3A_265 = tpu.vector_load %arg6[%parallel_loop3A_263, %parallel_loop3A_264] {strides = array<i32>} : memref<64x256xf32, #tpu.memory_space<vmem>>, vector<16xf32>,
        tpu.vector_store %arg6[%parallel_loop3A_263, %parallel_loop3A_264], %parallel_loop3A_262 {strides = array<i32>} : memref<64x256xf32, #tpu.memory_space<vmem>>, vector<16xf32>,
        %parallel_loop3A_266 = vector.broadcast %parallel_loop3A_247 : i32 to vector<16xi32>
        %parallel_loop3A_267 = arith.addi %mul3A_29, %parallel_loop3A_266 : vector<16xi32>
        %parallel_loop3A_268 = tpu.vector_load_idx %arg4[%parallel_loop3A_267] : memref<32768xf32, #tpu.memory_space<vmem>>[vector<16xi32>], vector<16xf32>,
        %parallel_loop3A_269 = arith.index_cast %parallel_loop3A_245 : i32 to index
        %parallel_loop3A_270 = arith.constant 48 : index
        %parallel_loop3A_271 = tpu.vector_load %arg6[%parallel_loop3A_269, %parallel_loop3A_270] {strides = array<i32>} : memref<64x256xf32, #tpu.memory_space<vmem>>, vector<16xf32>,
        tpu.vector_store %arg6[%parallel_loop3A_269, %parallel_loop3A_270], %parallel_loop3A_268 {strides = array<i32>} : memref<64x256xf32, #tpu.memory_space<vmem>>, vector<16xf32>,
        %parallel_loop3A_272 = vector.broadcast %parallel_loop3A_247 : i32 to vector<16xi32>
        %parallel_loop3A_273 = arith.addi %mul3A_36, %parallel_loop3A_272 : vector<16xi32>
        %parallel_loop3A_274 = tpu.vector_load_idx %arg4[%parallel_loop3A_273] : memref<32768xf32, #tpu.memory_space<vmem>>[vector<16xi32>], vector<16xf32>,
        %parallel_loop3A_275 = arith.index_cast %parallel_loop3A_245 : i32 to index
        %parallel_loop3A_276 = arith.constant 64 : index
        %parallel_loop3A_277 = tpu.vector_load %arg6[%parallel_loop3A_275, %parallel_loop3A_276] {strides = array<i32>} : memref<64x256xf32, #tpu.memory_space<vmem>>, vector<16xf32>,
        tpu.vector_store %arg6[%parallel_loop3A_275, %parallel_loop3A_276], %parallel_loop3A_274 {strides = array<i32>} : memref<64x256xf32, #tpu.memory_space<vmem>>, vector<16xf32>,
        %parallel_loop3A_278 = vector.broadcast %parallel_loop3A_247 : i32 to vector<16xi32>
        %parallel_loop3A_279 = arith.addi %mul3A_43, %parallel_loop3A_278 : vector<16xi32>
        %parallel_loop3A_280 = tpu.vector_load_idx %arg4[%parallel_loop3A_279] : memref<32768xf32, #tpu.memory_space<vmem>>[vector<16xi32>], vector<16xf32>,
        %parallel_loop3A_281 = arith.index_cast %parallel_loop3A_245 : i32 to index
        %parallel_loop3A_282 = arith.constant 80 : index
        %parallel_loop3A_283 = tpu.vector_load %arg6[%parallel_loop3A_281, %parallel_loop3A_282] {strides = array<i32>} : memref<64x256xf32, #tpu.memory_space<vmem>>, vector<16xf32>,
        tpu.vector_store %arg6[%parallel_loop3A_281, %parallel_loop3A_282], %parallel_loop3A_280 {strides = array<i32>} : memref<64x256xf32, #tpu.memory_space<vmem>>, vector<16xf32>,
        %parallel_loop3A_284 = vector.broadcast %parallel_loop3A_247 : i32 to vector<16xi32>
        %parallel_loop3A_285 = arith.addi %mul3A_50, %parallel_loop3A_284 : vector<16xi32>
        %parallel_loop3A_286 = tpu.vector_load_idx %arg4[%parallel_loop3A_285] : memref<32768xf32, #tpu.memory_space<vmem>>[vector<16xi32>], vector<16xf32>,
        %parallel_loop3A_287 = arith.index_cast %parallel_loop3A_245 : i32 to index
        %parallel_loop3A_288 = arith.constant 96 : index
        %parallel_loop3A_289 = tpu.vector_load %arg6[%parallel_loop3A_287, %parallel_loop3A_288] {strides = array<i32>} : memref<64x256xf32, #tpu.memory_space<vmem>>, vector<16xf32>,
        tpu.vector_store %arg6[%parallel_loop3A_287, %parallel_loop3A_288], %parallel_loop3A_286 {strides = array<i32>} : memref<64x256xf32, #tpu.memory_space<vmem>>, vector<16xf32>,
        %parallel_loop3A_290 = vector.broadcast %parallel_loop3A_247 : i32 to vector<16xi32>
        %parallel_loop3A_291 = arith.addi %mul3A_57, %parallel_loop3A_290 : vector<16xi32>
        %parallel_loop3A_292 = tpu.vector_load_idx %arg4[%parallel_loop3A_291] : memref<32768xf32, #tpu.memory_space<vmem>>[vector<16xi32>], vector<16xf32>,
        %parallel_loop3A_293 = arith.index_cast %parallel_loop3A_245 : i32 to index
        %parallel_loop3A_294 = arith.constant 112 : index
        %parallel_loop3A_295 = tpu.vector_load %arg6[%parallel_loop3A_293, %parallel_loop3A_294] {strides = array<i32>} : memref<64x256xf32, #tpu.memory_space<vmem>>, vector<16xf32>,
        tpu.vector_store %arg6[%parallel_loop3A_293, %parallel_loop3A_294], %parallel_loop3A_292 {strides = array<i32>} : memref<64x256xf32, #tpu.memory_space<vmem>>, vector<16xf32>,
        %parallel_loop3A_296 = vector.broadcast %parallel_loop3A_247 : i32 to vector<16xi32>
        %parallel_loop3A_297 = arith.addi %mul3A_64, %parallel_loop3A_296 : vector<16xi32>
        %parallel_loop3A_298 = tpu.vector_load_idx %arg4[%parallel_loop3A_297] : memref<32768xf32, #tpu.memory_space<vmem>>[vector<16xi32>], vector<16xf32>,
        %parallel_loop3A_299 = arith.index_cast %parallel_loop3A_245 : i32 to index
        %parallel_loop3A_300 = arith.constant 128 : index
        %parallel_loop3A_301 = tpu.vector_load %arg6[%parallel_loop3A_299, %parallel_loop3A_300] {strides = array<i32>} : memref<64x256xf32, #tpu.memory_space<vmem>>, vector<16xf32>,
        tpu.vector_store %arg6[%parallel_loop3A_299, %parallel_loop3A_300], %parallel_loop3A_298 {strides = array<i32>} : memref<64x256xf32, #tpu.memory_space<vmem>>, vector<16xf32>,
        %parallel_loop3A_302 = vector.broadcast %parallel_loop3A_247 : i32 to vector<16xi32>
        %parallel_loop3A_303 = arith.addi %mul3A_71, %parallel_loop3A_302 : vector<16xi32>
        %parallel_loop3A_304 = tpu.vector_load_idx %arg4[%parallel_loop3A_303] : memref<32768xf32, #tpu.memory_space<vmem>>[vector<16xi32>], vector<16xf32>,
        %parallel_loop3A_305 = arith.index_cast %parallel_loop3A_245 : i32 to index
        %parallel_loop3A_306 = arith.constant 144 : index
        %parallel_loop3A_307 = tpu.vector_load %arg6[%parallel_loop3A_305, %parallel_loop3A_306] {strides = array<i32>} : memref<64x256xf32, #tpu.memory_space<vmem>>, vector<16xf32>,
        tpu.vector_store %arg6[%parallel_loop3A_305, %parallel_loop3A_306], %parallel_loop3A_304 {strides = array<i32>} : memref<64x256xf32, #tpu.memory_space<vmem>>, vector<16xf32>,
        %parallel_loop3A_308 = vector.broadcast %parallel_loop3A_247 : i32 to vector<16xi32>
        %parallel_loop3A_309 = arith.addi %mul3A_78, %parallel_loop3A_308 : vector<16xi32>
        %parallel_loop3A_310 = tpu.vector_load_idx %arg4[%parallel_loop3A_309] : memref<32768xf32, #tpu.memory_space<vmem>>[vector<16xi32>], vector<16xf32>,
        %parallel_loop3A_311 = arith.index_cast %parallel_loop3A_245 : i32 to index
        %parallel_loop3A_312 = arith.constant 160 : index
        %parallel_loop3A_313 = tpu.vector_load %arg6[%parallel_loop3A_311, %parallel_loop3A_312] {strides = array<i32>} : memref<64x256xf32, #tpu.memory_space<vmem>>, vector<16xf32>,
        tpu.vector_store %arg6[%parallel_loop3A_311, %parallel_loop3A_312], %parallel_loop3A_310 {strides = array<i32>} : memref<64x256xf32, #tpu.memory_space<vmem>>, vector<16xf32>,
        %parallel_loop3A_314 = vector.broadcast %parallel_loop3A_247 : i32 to vector<16xi32>
        %parallel_loop3A_315 = arith.addi %mul3A_85, %parallel_loop3A_314 : vector<16xi32>
        %parallel_loop3A_316 = tpu.vector_load_idx %arg4[%parallel_loop3A_315] : memref<32768xf32, #tpu.memory_space<vmem>>[vector<16xi32>], vector<16xf32>,
        %parallel_loop3A_317 = arith.index_cast %parallel_loop3A_245 : i32 to index
        %parallel_loop3A_318 = arith.constant 176 : index
        %parallel_loop3A_319 = tpu.vector_load %arg6[%parallel_loop3A_317, %parallel_loop3A_318] {strides = array<i32>} : memref<64x256xf32, #tpu.memory_space<vmem>>, vector<16xf32>,
        tpu.vector_store %arg6[%parallel_loop3A_317, %parallel_loop3A_318], %parallel_loop3A_316 {strides = array<i32>} : memref<64x256xf32, #tpu.memory_space<vmem>>, vector<16xf32>,
        %parallel_loop3A_320 = vector.broadcast %parallel_loop3A_247 : i32 to vector<16xi32>
        %parallel_loop3A_321 = arith.addi %mul3A_92, %parallel_loop3A_320 : vector<16xi32>
        %parallel_loop3A_322 = tpu.vector_load_idx %arg4[%parallel_loop3A_321] : memref<32768xf32, #tpu.memory_space<vmem>>[vector<16xi32>], vector<16xf32>,
        %parallel_loop3A_323 = arith.index_cast %parallel_loop3A_245 : i32 to index
        %parallel_loop3A_324 = arith.constant 192 : index
        %parallel_loop3A_325 = tpu.vector_load %arg6[%parallel_loop3A_323, %parallel_loop3A_324] {strides = array<i32>} : memref<64x256xf32, #tpu.memory_space<vmem>>, vector<16xf32>,
        tpu.vector_store %arg6[%parallel_loop3A_323, %parallel_loop3A_324], %parallel_loop3A_322 {strides = array<i32>} : memref<64x256xf32, #tpu.memory_space<vmem>>, vector<16xf32>,
        %parallel_loop3A_326 = vector.broadcast %parallel_loop3A_247 : i32 to vector<16xi32>
        %parallel_loop3A_327 = arith.addi %mul3A_99, %parallel_loop3A_326 : vector<16xi32>
        %parallel_loop3A_328 = tpu.vector_load_idx %arg4[%parallel_loop3A_327] : memref<32768xf32, #tpu.memory_space<vmem>>[vector<16xi32>], vector<16xf32>,
        %parallel_loop3A_329 = arith.index_cast %parallel_loop3A_245 : i32 to index
        %parallel_loop3A_330 = arith.constant 208 : index
        %parallel_loop3A_331 = tpu.vector_load %arg6[%parallel_loop3A_329, %parallel_loop3A_330] {strides = array<i32>} : memref<64x256xf32, #tpu.memory_space<vmem>>, vector<16xf32>,
        tpu.vector_store %arg6[%parallel_loop3A_329, %parallel_loop3A_330], %parallel_loop3A_328 {strides = array<i32>} : memref<64x256xf32, #tpu.memory_space<vmem>>, vector<16xf32>,
        %parallel_loop3A_332 = vector.broadcast %parallel_loop3A_247 : i32 to vector<16xi32>
        %parallel_loop3A_333 = arith.addi %mul3A_106, %parallel_loop3A_332 : vector<16xi32>
        %parallel_loop3A_334 = tpu.vector_load_idx %arg4[%parallel_loop3A_333] : memref<32768xf32, #tpu.memory_space<vmem>>[vector<16xi32>], vector<16xf32>,
        %parallel_loop3A_335 = arith.index_cast %parallel_loop3A_245 : i32 to index
        %parallel_loop3A_336 = arith.constant 224 : index
        %parallel_loop3A_337 = tpu.vector_load %arg6[%parallel_loop3A_335, %parallel_loop3A_336] {strides = array<i32>} : memref<64x256xf32, #tpu.memory_space<vmem>>, vector<16xf32>,
        tpu.vector_store %arg6[%parallel_loop3A_335, %parallel_loop3A_336], %parallel_loop3A_334 {strides = array<i32>} : memref<64x256xf32, #tpu.memory_space<vmem>>, vector<16xf32>,
        %parallel_loop3A_338 = vector.broadcast %parallel_loop3A_247 : i32 to vector<16xi32>
        %parallel_loop3A_339 = arith.addi %mul3A_113, %parallel_loop3A_338 : vector<16xi32>
        %parallel_loop3A_340 = tpu.vector_load_idx %arg4[%parallel_loop3A_339] : memref<32768xf32, #tpu.memory_space<vmem>>[vector<16xi32>], vector<16xf32>,
        %parallel_loop3A_341 = arith.index_cast %parallel_loop3A_245 : i32 to index
        %parallel_loop3A_342 = arith.constant 240 : index
        %parallel_loop3A_343 = tpu.vector_load %arg6[%parallel_loop3A_341, %parallel_loop3A_342] {strides = array<i32>} : memref<64x256xf32, #tpu.memory_space<vmem>>, vector<16xf32>,
        tpu.vector_store %arg6[%parallel_loop3A_341, %parallel_loop3A_342], %parallel_loop3A_340 {strides = array<i32>} : memref<64x256xf32, #tpu.memory_space<vmem>>, vector<16xf32>,
      } {sc.loop_unroll_factor = 8 : i64, sc.parallel_access}
      %jit3A_196 = arith.constant 2 : i32
      %div3A_197 = arith.divsi %mul3A_156, %jit3A_196 : i32
      %sign3A_198 = arith.constant 0 : i32
      %sign3A_199 = arith.cmpi sgt, %mul3A_156, %sign3A_198 : i32
      %sign3A_200 = arith.extui %sign3A_199 : i1 to i32
      %sign3A_201 = arith.constant 0 : i32
      %sign3A_202 = arith.cmpi slt, %mul3A_156, %sign3A_201 : i32
      %sign3A_203 = arith.extui %sign3A_202 : i1 to i32
      %sign3A_204 = arith.subi %sign3A_200, %sign3A_203 : i32
      %sign3A_205 = arith.constant 0 : i32
      %sign3A_206 = arith.cmpi sgt, %jit3A_196, %sign3A_205 : i32
      %sign3A_207 = arith.extui %sign3A_206 : i1 to i32
      %sign3A_208 = arith.constant 0 : i32
      %sign3A_209 = arith.cmpi slt, %jit3A_196, %sign3A_208 : i32
      %sign3A_210 = arith.extui %sign3A_209 : i1 to i32
      %sign3A_211 = arith.subi %sign3A_207, %sign3A_210 : i32
      %ne3A_212 = arith.cmpi ne, %sign3A_204, %sign3A_211 : i32
      %rem3A_213 = arith.remsi %mul3A_156, %jit3A_196 : i32
      %ne3A_214 = arith.constant 0 : i32
      %ne3A_215 = arith.cmpi ne, %rem3A_213, %ne3A_214 : i32
      %and3A_216 = arith.andi %ne3A_212, %ne3A_215 : i1
      %sub3A_217 = arith.constant 1 : i32
      %sub3A_218 = arith.subi %div3A_197, %sub3A_217 : i32
      %select_n3A_219 = arith.select %and3A_216, %sub3A_218, %div3A_197 : i32
      %rem3A_220 = arith.constant 2 : i32
      %rem3A_221 = arith.remsi %mul3A_156, %rem3A_220 : i32
      %mul3A_222 = arith.constant 256 : i32
      %mul3A_223 = arith.muli %rem3A_221, %mul3A_222 : i32
      %add3A_224 = arith.addi %mul3A_2, %mul3A_223 : i32
      %dma_start3A_225 = arith.constant 0 : i32
      %dma_start3A_226 = tpu.memref_slice %arg3[%select_n3A_219, %dma_start3A_225, %add3A_224] : memref<26x64x16384xf32, #tpu.memory_space<hbm>> -> memref<1x64x256xf32, #tpu.memory_space<hbm>>
      %dma_start3A_227 = tpu.memref_squeeze %dma_start3A_226 : memref<1x64x256xf32, #tpu.memory_space<hbm>> -> memref<64x256xf32, #tpu.memory_space<hbm>>
      %dma_start3A_228 = arith.constant 0 : i32
      %dma_start3A_229 = tpu.memref_slice %arg3[%select_n3A_219, %dma_start3A_228, %add3A_224] : memref<26x64x16384xf32, #tpu.memory_space<hbm>> -> memref<1x64x256xf32, #tpu.memory_space<hbm>>
      %dma_start3A_230 = tpu.memref_squeeze %dma_start3A_229 : memref<1x64x256xf32, #tpu.memory_space<hbm>> -> memref<64x256xf32, #tpu.memory_space<hbm>>
      tpu.enqueue_dma source(%arg6 : memref<64x256xf32, #tpu.memory_space<vmem>>) target(%dma_start3A_230 : memref<64x256xf32, #tpu.memory_space<hbm>>) target_semaphore(%arg10 : memref<!tpu.dma_semaphore, #tpu.memory_space<semaphore_mem>>)
      %add3A_231 = arith.constant 2 : i32
      %add3A_232 = arith.addi %mul3A_156, %add3A_231 : i32
      %lt3A_233 = arith.constant 52 : i32
      %lt3A_234 = arith.cmpi slt, %add3A_232, %lt3A_233 : i32
      %convert_element_type3A_235 = arith.extui %lt3A_234 : i1 to i32
      %cond3A_236 = arith.constant 0 : i32
      %cond3A_237 = arith.cmpi ne, %convert_element_type3A_235, %cond3A_236 : i32
      scf.if %cond3A_237 {
        %add3A_245 = arith.constant 2 : i32
        %add3A_246 = arith.addi %mul3A_156, %add3A_245 : i32
        %jit3A_247 = arith.constant 2 : i32
        %div3A_248 = arith.divsi %add3A_246, %jit3A_247 : i32
        %sign3A_249 = arith.constant 0 : i32
        %sign3A_250 = arith.cmpi sgt, %add3A_246, %sign3A_249 : i32
        %sign3A_251 = arith.extui %sign3A_250 : i1 to i32
        %sign3A_252 = arith.constant 0 : i32
        %sign3A_253 = arith.cmpi slt, %add3A_246, %sign3A_252 : i32
        %sign3A_254 = arith.extui %sign3A_253 : i1 to i32
        %sign3A_255 = arith.subi %sign3A_251, %sign3A_254 : i32
        %sign3A_256 = arith.constant 0 : i32
        %sign3A_257 = arith.cmpi sgt, %jit3A_247, %sign3A_256 : i32
        %sign3A_258 = arith.extui %sign3A_257 : i1 to i32
        %sign3A_259 = arith.constant 0 : i32
        %sign3A_260 = arith.cmpi slt, %jit3A_247, %sign3A_259 : i32
        %sign3A_261 = arith.extui %sign3A_260 : i1 to i32
        %sign3A_262 = arith.subi %sign3A_258, %sign3A_261 : i32
        %ne3A_263 = arith.cmpi ne, %sign3A_255, %sign3A_262 : i32
        %rem3A_264 = arith.remsi %add3A_246, %jit3A_247 : i32
        %ne3A_265 = arith.constant 0 : i32
        %ne3A_266 = arith.cmpi ne, %rem3A_264, %ne3A_265 : i32
        %and3A_267 = arith.andi %ne3A_263, %ne3A_266 : i1
        %sub3A_268 = arith.constant 1 : i32
        %sub3A_269 = arith.subi %div3A_248, %sub3A_268 : i32
        %select_n3A_270 = arith.select %and3A_267, %sub3A_269, %div3A_248 : i32
        %rem3A_271 = arith.constant 2 : i32
        %rem3A_272 = arith.remsi %add3A_246, %rem3A_271 : i32
        %mul3A_273 = arith.constant 256 : i32
        %mul3A_274 = arith.muli %rem3A_272, %mul3A_273 : i32
        %add3A_275 = arith.addi %mul3A_2, %mul3A_274 : i32
        %mul3A_276 = arith.constant 16384 : i32
        %mul3A_277 = arith.muli %select_n3A_270, %mul3A_276 : i32
        %add3A_278 = arith.addi %mul3A_277, %add3A_275 : i32
        %mul3A_279 = arith.constant 128 : i32
        %mul3A_280 = arith.muli %add3A_278, %mul3A_279 : i32
        %dma_start3A_281 = tpu.memref_slice %arg2[%mul3A_280] : memref<54525952xf32, #tpu.memory_space<hbm>> -> memref<32768xf32, #tpu.memory_space<hbm>>
        %dma_start3A_282 = tpu.memref_slice %arg2[%mul3A_280] : memref<54525952xf32, #tpu.memory_space<hbm>> -> memref<32768xf32, #tpu.memory_space<hbm>>
        tpu.enqueue_dma source(%dma_start3A_282 : memref<32768xf32, #tpu.memory_space<hbm>>) target(%arg4 : memref<32768xf32, #tpu.memory_space<vmem>>) target_semaphore(%arg8 : memref<!tpu.dma_semaphore, #tpu.memory_space<semaphore_mem>>)
      } else {
      }
      %add3A_238 = arith.constant 1 : i32
      %add3A_239 = arith.addi %mul3A_156, %add3A_238 : i32
      %lt3A_240 = arith.constant 52 : i32
      %lt3A_241 = arith.cmpi slt, %add3A_239, %lt3A_240 : i32
      %convert_element_type3A_242 = arith.extui %lt3A_241 : i1 to i32
      %cond3A_243 = arith.constant 0 : i32
      %cond3A_244 = arith.cmpi ne, %convert_element_type3A_242, %cond3A_243 : i32
      scf.if %cond3A_244 {
        %add3A_245 = arith.constant 1 : i32
        %add3A_246 = arith.addi %mul3A_156, %add3A_245 : i32
        %jit3A_247 = arith.constant 2 : i32
        %div3A_248 = arith.divsi %add3A_246, %jit3A_247 : i32
        %sign3A_249 = arith.constant 0 : i32
        %sign3A_250 = arith.cmpi sgt, %add3A_246, %sign3A_249 : i32
        %sign3A_251 = arith.extui %sign3A_250 : i1 to i32
        %sign3A_252 = arith.constant 0 : i32
        %sign3A_253 = arith.cmpi slt, %add3A_246, %sign3A_252 : i32
        %sign3A_254 = arith.extui %sign3A_253 : i1 to i32
        %sign3A_255 = arith.subi %sign3A_251, %sign3A_254 : i32
        %sign3A_256 = arith.constant 0 : i32
        %sign3A_257 = arith.cmpi sgt, %jit3A_247, %sign3A_256 : i32
        %sign3A_258 = arith.extui %sign3A_257 : i1 to i32
        %sign3A_259 = arith.constant 0 : i32
        %sign3A_260 = arith.cmpi slt, %jit3A_247, %sign3A_259 : i32
        %sign3A_261 = arith.extui %sign3A_260 : i1 to i32
        %sign3A_262 = arith.subi %sign3A_258, %sign3A_261 : i32
        %ne3A_263 = arith.cmpi ne, %sign3A_255, %sign3A_262 : i32
        %rem3A_264 = arith.remsi %add3A_246, %jit3A_247 : i32
        %ne3A_265 = arith.constant 0 : i32
        %ne3A_266 = arith.cmpi ne, %rem3A_264, %ne3A_265 : i32
        %and3A_267 = arith.andi %ne3A_263, %ne3A_266 : i1
        %sub3A_268 = arith.constant 1 : i32
        %sub3A_269 = arith.subi %div3A_248, %sub3A_268 : i32
        %select_n3A_270 = arith.select %and3A_267, %sub3A_269, %div3A_248 : i32
        %rem3A_271 = arith.constant 2 : i32
        %rem3A_272 = arith.remsi %add3A_246, %rem3A_271 : i32
        %mul3A_273 = arith.constant 256 : i32
        %mul3A_274 = arith.muli %rem3A_272, %mul3A_273 : i32
        %add3A_275 = arith.addi %mul3A_2, %mul3A_274 : i32
        %mul3A_276 = arith.constant 16384 : i32
        %mul3A_277 = arith.muli %select_n3A_270, %mul3A_276 : i32
        %add3A_278 = arith.addi %mul3A_277, %add3A_275 : i32
        %mul3A_279 = arith.constant 128 : i32
        %mul3A_280 = arith.muli %add3A_278, %mul3A_279 : i32
        %dma_wait3A_281 = tpu.memref_slice %arg2[%mul3A_280] : memref<54525952xf32, #tpu.memory_space<hbm>> -> memref<32768xf32, #tpu.memory_space<hbm>>
        %dma_wait3A_282 = tpu.memref_slice %arg2[%mul3A_280] : memref<54525952xf32, #tpu.memory_space<hbm>> -> memref<32768xf32, #tpu.memory_space<hbm>>
        tpu.wait_dma2 semaphore(%arg9 : memref<!tpu.dma_semaphore, #tpu.memory_space<semaphore_mem>>) src(%dma_wait3A_282 : memref<32768xf32, #tpu.memory_space<hbm>>) dst(%arg5 : memref<32768xf32, #tpu.memory_space<vmem>>)
        %ge3A_283 = arith.constant 1 : i32
        %ge3A_284 = arith.cmpi sge, %scan3A_154, %ge3A_283 : i32
        %convert_element_type3A_285 = arith.extui %ge3A_284 : i1 to i32
        %cond3A_286 = arith.constant 0 : i32
        %cond3A_287 = arith.cmpi ne, %convert_element_type3A_285, %cond3A_286 : i32
        scf.if %cond3A_287 {
          %sub3A_328 = arith.constant 1 : i32
          %sub3A_329 = arith.subi %mul3A_156, %sub3A_328 : i32
          %jit3A_330 = arith.constant 2 : i32
          %div3A_331 = arith.divsi %sub3A_329, %jit3A_330 : i32
          %sign3A_332 = arith.constant 0 : i32
          %sign3A_333 = arith.cmpi sgt, %sub3A_329, %sign3A_332 : i32
          %sign3A_334 = arith.extui %sign3A_333 : i1 to i32
          %sign3A_335 = arith.constant 0 : i32
          %sign3A_336 = arith.cmpi slt, %sub3A_329, %sign3A_335 : i32
          %sign3A_337 = arith.extui %sign3A_336 : i1 to i32
          %sign3A_338 = arith.subi %sign3A_334, %sign3A_337 : i32
          %sign3A_339 = arith.constant 0 : i32
          %sign3A_340 = arith.cmpi sgt, %jit3A_330, %sign3A_339 : i32
          %sign3A_341 = arith.extui %sign3A_340 : i1 to i32
          %sign3A_342 = arith.constant 0 : i32
          %sign3A_343 = arith.cmpi slt, %jit3A_330, %sign3A_342 : i32
          %sign3A_344 = arith.extui %sign3A_343 : i1 to i32
          %sign3A_345 = arith.subi %sign3A_341, %sign3A_344 : i32
          %ne3A_346 = arith.cmpi ne, %sign3A_338, %sign3A_345 : i32
          %rem3A_347 = arith.remsi %sub3A_329, %jit3A_330 : i32
          %ne3A_348 = arith.constant 0 : i32
          %ne3A_349 = arith.cmpi ne, %rem3A_347, %ne3A_348 : i32
          %and3A_350 = arith.andi %ne3A_346, %ne3A_349 : i1
          %sub3A_351 = arith.constant 1 : i32
          %sub3A_352 = arith.subi %div3A_331, %sub3A_351 : i32
          %select_n3A_353 = arith.select %and3A_350, %sub3A_352, %div3A_331 : i32
          %rem3A_354 = arith.constant 2 : i32
          %rem3A_355 = arith.remsi %sub3A_329, %rem3A_354 : i32
          %mul3A_356 = arith.constant 256 : i32
          %mul3A_357 = arith.muli %rem3A_355, %mul3A_356 : i32
          %add3A_358 = arith.addi %mul3A_2, %mul3A_357 : i32
          %dma_wait3A_359 = arith.constant 0 : i32
          %dma_wait3A_360 = tpu.memref_slice %arg3[%select_n3A_353, %dma_wait3A_359, %add3A_358] : memref<26x64x16384xf32, #tpu.memory_space<hbm>> -> memref<1x64x256xf32, #tpu.memory_space<hbm>>
          %dma_wait3A_361 = tpu.memref_squeeze %dma_wait3A_360 : memref<1x64x256xf32, #tpu.memory_space<hbm>> -> memref<64x256xf32, #tpu.memory_space<hbm>>
          %dma_wait3A_362 = arith.constant 0 : i32
          %dma_wait3A_363 = tpu.memref_slice %arg3[%select_n3A_353, %dma_wait3A_362, %add3A_358] : memref<26x64x16384xf32, #tpu.memory_space<hbm>> -> memref<1x64x256xf32, #tpu.memory_space<hbm>>
          %dma_wait3A_364 = tpu.memref_squeeze %dma_wait3A_363 : memref<1x64x256xf32, #tpu.memory_space<hbm>> -> memref<64x256xf32, #tpu.memory_space<hbm>>
          tpu.wait_dma2 semaphore(%arg11 : memref<!tpu.dma_semaphore, #tpu.memory_space<semaphore_mem>>) src(%arg7 : memref<64x256xf32, #tpu.memory_space<vmem>>) dst(%dma_wait3A_364 : memref<64x256xf32, #tpu.memory_space<hbm>>)
        } else {
        }
        %parallel_loop3A_288 = arith.constant 0 : i32
        %parallel_loop3A_289 = arith.constant 64 : i32
        %parallel_loop3A_290 = arith.constant 1 : i32
        scf.for %parallel_loop3A_328 = %parallel_loop3A_288 to %parallel_loop3A_289 step %parallel_loop3A_290  : i32 {
          %parallel_loop3A_329 = arith.constant 2 : i32
          %parallel_loop3A_330 = arith.muli %parallel_loop3A_329, %parallel_loop3A_328 : i32
          %parallel_loop3A_331 = vector.broadcast %parallel_loop3A_330 : i32 to vector<16xi32>
          %parallel_loop3A_332 = arith.addi %mul3A_8, %parallel_loop3A_331 : vector<16xi32>
          %parallel_loop3A_333 = tpu.vector_load_idx %arg5[%parallel_loop3A_332] : memref<32768xf32, #tpu.memory_space<vmem>>[vector<16xi32>], vector<16xf32>,
          %parallel_loop3A_334 = arith.index_cast %parallel_loop3A_328 : i32 to index
          %parallel_loop3A_335 = arith.constant 0 : index
          %parallel_loop3A_336 = tpu.vector_load %arg7[%parallel_loop3A_334, %parallel_loop3A_335] {strides = array<i32>} : memref<64x256xf32, #tpu.memory_space<vmem>>, vector<16xf32>,
          tpu.vector_store %arg7[%parallel_loop3A_334, %parallel_loop3A_335], %parallel_loop3A_333 {strides = array<i32>} : memref<64x256xf32, #tpu.memory_space<vmem>>, vector<16xf32>,
          %parallel_loop3A_337 = vector.broadcast %parallel_loop3A_330 : i32 to vector<16xi32>
          %parallel_loop3A_338 = arith.addi %mul3A_15, %parallel_loop3A_337 : vector<16xi32>
          %parallel_loop3A_339 = tpu.vector_load_idx %arg5[%parallel_loop3A_338] : memref<32768xf32, #tpu.memory_space<vmem>>[vector<16xi32>], vector<16xf32>,
          %parallel_loop3A_340 = arith.index_cast %parallel_loop3A_328 : i32 to index
          %parallel_loop3A_341 = arith.constant 16 : index
          %parallel_loop3A_342 = tpu.vector_load %arg7[%parallel_loop3A_340, %parallel_loop3A_341] {strides = array<i32>} : memref<64x256xf32, #tpu.memory_space<vmem>>, vector<16xf32>,
          tpu.vector_store %arg7[%parallel_loop3A_340, %parallel_loop3A_341], %parallel_loop3A_339 {strides = array<i32>} : memref<64x256xf32, #tpu.memory_space<vmem>>, vector<16xf32>,
          %parallel_loop3A_343 = vector.broadcast %parallel_loop3A_330 : i32 to vector<16xi32>
          %parallel_loop3A_344 = arith.addi %mul3A_22, %parallel_loop3A_343 : vector<16xi32>
          %parallel_loop3A_345 = tpu.vector_load_idx %arg5[%parallel_loop3A_344] : memref<32768xf32, #tpu.memory_space<vmem>>[vector<16xi32>], vector<16xf32>,
          %parallel_loop3A_346 = arith.index_cast %parallel_loop3A_328 : i32 to index
          %parallel_loop3A_347 = arith.constant 32 : index
          %parallel_loop3A_348 = tpu.vector_load %arg7[%parallel_loop3A_346, %parallel_loop3A_347] {strides = array<i32>} : memref<64x256xf32, #tpu.memory_space<vmem>>, vector<16xf32>,
          tpu.vector_store %arg7[%parallel_loop3A_346, %parallel_loop3A_347], %parallel_loop3A_345 {strides = array<i32>} : memref<64x256xf32, #tpu.memory_space<vmem>>, vector<16xf32>,
          %parallel_loop3A_349 = vector.broadcast %parallel_loop3A_330 : i32 to vector<16xi32>
          %parallel_loop3A_350 = arith.addi %mul3A_29, %parallel_loop3A_349 : vector<16xi32>
          %parallel_loop3A_351 = tpu.vector_load_idx %arg5[%parallel_loop3A_350] : memref<32768xf32, #tpu.memory_space<vmem>>[vector<16xi32>], vector<16xf32>,
          %parallel_loop3A_352 = arith.index_cast %parallel_loop3A_328 : i32 to index
          %parallel_loop3A_353 = arith.constant 48 : index
          %parallel_loop3A_354 = tpu.vector_load %arg7[%parallel_loop3A_352, %parallel_loop3A_353] {strides = array<i32>} : memref<64x256xf32, #tpu.memory_space<vmem>>, vector<16xf32>,
          tpu.vector_store %arg7[%parallel_loop3A_352, %parallel_loop3A_353], %parallel_loop3A_351 {strides = array<i32>} : memref<64x256xf32, #tpu.memory_space<vmem>>, vector<16xf32>,
          %parallel_loop3A_355 = vector.broadcast %parallel_loop3A_330 : i32 to vector<16xi32>
          %parallel_loop3A_356 = arith.addi %mul3A_36, %parallel_loop3A_355 : vector<16xi32>
          %parallel_loop3A_357 = tpu.vector_load_idx %arg5[%parallel_loop3A_356] : memref<32768xf32, #tpu.memory_space<vmem>>[vector<16xi32>], vector<16xf32>,
          %parallel_loop3A_358 = arith.index_cast %parallel_loop3A_328 : i32 to index
          %parallel_loop3A_359 = arith.constant 64 : index
          %parallel_loop3A_360 = tpu.vector_load %arg7[%parallel_loop3A_358, %parallel_loop3A_359] {strides = array<i32>} : memref<64x256xf32, #tpu.memory_space<vmem>>, vector<16xf32>,
          tpu.vector_store %arg7[%parallel_loop3A_358, %parallel_loop3A_359], %parallel_loop3A_357 {strides = array<i32>} : memref<64x256xf32, #tpu.memory_space<vmem>>, vector<16xf32>,
          %parallel_loop3A_361 = vector.broadcast %parallel_loop3A_330 : i32 to vector<16xi32>
          %parallel_loop3A_362 = arith.addi %mul3A_43, %parallel_loop3A_361 : vector<16xi32>
          %parallel_loop3A_363 = tpu.vector_load_idx %arg5[%parallel_loop3A_362] : memref<32768xf32, #tpu.memory_space<vmem>>[vector<16xi32>], vector<16xf32>,
          %parallel_loop3A_364 = arith.index_cast %parallel_loop3A_328 : i32 to index
          %parallel_loop3A_365 = arith.constant 80 : index
          %parallel_loop3A_366 = tpu.vector_load %arg7[%parallel_loop3A_364, %parallel_loop3A_365] {strides = array<i32>} : memref<64x256xf32, #tpu.memory_space<vmem>>, vector<16xf32>,
          tpu.vector_store %arg7[%parallel_loop3A_364, %parallel_loop3A_365], %parallel_loop3A_363 {strides = array<i32>} : memref<64x256xf32, #tpu.memory_space<vmem>>, vector<16xf32>,
          %parallel_loop3A_367 = vector.broadcast %parallel_loop3A_330 : i32 to vector<16xi32>
          %parallel_loop3A_368 = arith.addi %mul3A_50, %parallel_loop3A_367 : vector<16xi32>
          %parallel_loop3A_369 = tpu.vector_load_idx %arg5[%parallel_loop3A_368] : memref<32768xf32, #tpu.memory_space<vmem>>[vector<16xi32>], vector<16xf32>,
          %parallel_loop3A_370 = arith.index_cast %parallel_loop3A_328 : i32 to index
          %parallel_loop3A_371 = arith.constant 96 : index
          %parallel_loop3A_372 = tpu.vector_load %arg7[%parallel_loop3A_370, %parallel_loop3A_371] {strides = array<i32>} : memref<64x256xf32, #tpu.memory_space<vmem>>, vector<16xf32>,
          tpu.vector_store %arg7[%parallel_loop3A_370, %parallel_loop3A_371], %parallel_loop3A_369 {strides = array<i32>} : memref<64x256xf32, #tpu.memory_space<vmem>>, vector<16xf32>,
          %parallel_loop3A_373 = vector.broadcast %parallel_loop3A_330 : i32 to vector<16xi32>
          %parallel_loop3A_374 = arith.addi %mul3A_57, %parallel_loop3A_373 : vector<16xi32>
          %parallel_loop3A_375 = tpu.vector_load_idx %arg5[%parallel_loop3A_374] : memref<32768xf32, #tpu.memory_space<vmem>>[vector<16xi32>], vector<16xf32>,
          %parallel_loop3A_376 = arith.index_cast %parallel_loop3A_328 : i32 to index
          %parallel_loop3A_377 = arith.constant 112 : index
          %parallel_loop3A_378 = tpu.vector_load %arg7[%parallel_loop3A_376, %parallel_loop3A_377] {strides = array<i32>} : memref<64x256xf32, #tpu.memory_space<vmem>>, vector<16xf32>,
          tpu.vector_store %arg7[%parallel_loop3A_376, %parallel_loop3A_377], %parallel_loop3A_375 {strides = array<i32>} : memref<64x256xf32, #tpu.memory_space<vmem>>, vector<16xf32>,
          %parallel_loop3A_379 = vector.broadcast %parallel_loop3A_330 : i32 to vector<16xi32>
          %parallel_loop3A_380 = arith.addi %mul3A_64, %parallel_loop3A_379 : vector<16xi32>
          %parallel_loop3A_381 = tpu.vector_load_idx %arg5[%parallel_loop3A_380] : memref<32768xf32, #tpu.memory_space<vmem>>[vector<16xi32>], vector<16xf32>,
          %parallel_loop3A_382 = arith.index_cast %parallel_loop3A_328 : i32 to index
          %parallel_loop3A_383 = arith.constant 128 : index
          %parallel_loop3A_384 = tpu.vector_load %arg7[%parallel_loop3A_382, %parallel_loop3A_383] {strides = array<i32>} : memref<64x256xf32, #tpu.memory_space<vmem>>, vector<16xf32>,
          tpu.vector_store %arg7[%parallel_loop3A_382, %parallel_loop3A_383], %parallel_loop3A_381 {strides = array<i32>} : memref<64x256xf32, #tpu.memory_space<vmem>>, vector<16xf32>,
          %parallel_loop3A_385 = vector.broadcast %parallel_loop3A_330 : i32 to vector<16xi32>
          %parallel_loop3A_386 = arith.addi %mul3A_71, %parallel_loop3A_385 : vector<16xi32>
          %parallel_loop3A_387 = tpu.vector_load_idx %arg5[%parallel_loop3A_386] : memref<32768xf32, #tpu.memory_space<vmem>>[vector<16xi32>], vector<16xf32>,
          %parallel_loop3A_388 = arith.index_cast %parallel_loop3A_328 : i32 to index
          %parallel_loop3A_389 = arith.constant 144 : index
          %parallel_loop3A_390 = tpu.vector_load %arg7[%parallel_loop3A_388, %parallel_loop3A_389] {strides = array<i32>} : memref<64x256xf32, #tpu.memory_space<vmem>>, vector<16xf32>,
          tpu.vector_store %arg7[%parallel_loop3A_388, %parallel_loop3A_389], %parallel_loop3A_387 {strides = array<i32>} : memref<64x256xf32, #tpu.memory_space<vmem>>, vector<16xf32>,
          %parallel_loop3A_391 = vector.broadcast %parallel_loop3A_330 : i32 to vector<16xi32>
          %parallel_loop3A_392 = arith.addi %mul3A_78, %parallel_loop3A_391 : vector<16xi32>
          %parallel_loop3A_393 = tpu.vector_load_idx %arg5[%parallel_loop3A_392] : memref<32768xf32, #tpu.memory_space<vmem>>[vector<16xi32>], vector<16xf32>,
          %parallel_loop3A_394 = arith.index_cast %parallel_loop3A_328 : i32 to index
          %parallel_loop3A_395 = arith.constant 160 : index
          %parallel_loop3A_396 = tpu.vector_load %arg7[%parallel_loop3A_394, %parallel_loop3A_395] {strides = array<i32>} : memref<64x256xf32, #tpu.memory_space<vmem>>, vector<16xf32>,
          tpu.vector_store %arg7[%parallel_loop3A_394, %parallel_loop3A_395], %parallel_loop3A_393 {strides = array<i32>} : memref<64x256xf32, #tpu.memory_space<vmem>>, vector<16xf32>,
          %parallel_loop3A_397 = vector.broadcast %parallel_loop3A_330 : i32 to vector<16xi32>
          %parallel_loop3A_398 = arith.addi %mul3A_85, %parallel_loop3A_397 : vector<16xi32>
          %parallel_loop3A_399 = tpu.vector_load_idx %arg5[%parallel_loop3A_398] : memref<32768xf32, #tpu.memory_space<vmem>>[vector<16xi32>], vector<16xf32>,
          %parallel_loop3A_400 = arith.index_cast %parallel_loop3A_328 : i32 to index
          %parallel_loop3A_401 = arith.constant 176 : index
          %parallel_loop3A_402 = tpu.vector_load %arg7[%parallel_loop3A_400, %parallel_loop3A_401] {strides = array<i32>} : memref<64x256xf32, #tpu.memory_space<vmem>>, vector<16xf32>,
          tpu.vector_store %arg7[%parallel_loop3A_400, %parallel_loop3A_401], %parallel_loop3A_399 {strides = array<i32>} : memref<64x256xf32, #tpu.memory_space<vmem>>, vector<16xf32>,
          %parallel_loop3A_403 = vector.broadcast %parallel_loop3A_330 : i32 to vector<16xi32>
          %parallel_loop3A_404 = arith.addi %mul3A_92, %parallel_loop3A_403 : vector<16xi32>
          %parallel_loop3A_405 = tpu.vector_load_idx %arg5[%parallel_loop3A_404] : memref<32768xf32, #tpu.memory_space<vmem>>[vector<16xi32>], vector<16xf32>,
          %parallel_loop3A_406 = arith.index_cast %parallel_loop3A_328 : i32 to index
          %parallel_loop3A_407 = arith.constant 192 : index
          %parallel_loop3A_408 = tpu.vector_load %arg7[%parallel_loop3A_406, %parallel_loop3A_407] {strides = array<i32>} : memref<64x256xf32, #tpu.memory_space<vmem>>, vector<16xf32>,
          tpu.vector_store %arg7[%parallel_loop3A_406, %parallel_loop3A_407], %parallel_loop3A_405 {strides = array<i32>} : memref<64x256xf32, #tpu.memory_space<vmem>>, vector<16xf32>,
          %parallel_loop3A_409 = vector.broadcast %parallel_loop3A_330 : i32 to vector<16xi32>
          %parallel_loop3A_410 = arith.addi %mul3A_99, %parallel_loop3A_409 : vector<16xi32>
          %parallel_loop3A_411 = tpu.vector_load_idx %arg5[%parallel_loop3A_410] : memref<32768xf32, #tpu.memory_space<vmem>>[vector<16xi32>], vector<16xf32>,
          %parallel_loop3A_412 = arith.index_cast %parallel_loop3A_328 : i32 to index
          %parallel_loop3A_413 = arith.constant 208 : index
          %parallel_loop3A_414 = tpu.vector_load %arg7[%parallel_loop3A_412, %parallel_loop3A_413] {strides = array<i32>} : memref<64x256xf32, #tpu.memory_space<vmem>>, vector<16xf32>,
          tpu.vector_store %arg7[%parallel_loop3A_412, %parallel_loop3A_413], %parallel_loop3A_411 {strides = array<i32>} : memref<64x256xf32, #tpu.memory_space<vmem>>, vector<16xf32>,
          %parallel_loop3A_415 = vector.broadcast %parallel_loop3A_330 : i32 to vector<16xi32>
          %parallel_loop3A_416 = arith.addi %mul3A_106, %parallel_loop3A_415 : vector<16xi32>
          %parallel_loop3A_417 = tpu.vector_load_idx %arg5[%parallel_loop3A_416] : memref<32768xf32, #tpu.memory_space<vmem>>[vector<16xi32>], vector<16xf32>,
          %parallel_loop3A_418 = arith.index_cast %parallel_loop3A_328 : i32 to index
          %parallel_loop3A_419 = arith.constant 224 : index
          %parallel_loop3A_420 = tpu.vector_load %arg7[%parallel_loop3A_418, %parallel_loop3A_419] {strides = array<i32>} : memref<64x256xf32, #tpu.memory_space<vmem>>, vector<16xf32>,
          tpu.vector_store %arg7[%parallel_loop3A_418, %parallel_loop3A_419], %parallel_loop3A_417 {strides = array<i32>} : memref<64x256xf32, #tpu.memory_space<vmem>>, vector<16xf32>,
          %parallel_loop3A_421 = vector.broadcast %parallel_loop3A_330 : i32 to vector<16xi32>
          %parallel_loop3A_422 = arith.addi %mul3A_113, %parallel_loop3A_421 : vector<16xi32>
          %parallel_loop3A_423 = tpu.vector_load_idx %arg5[%parallel_loop3A_422] : memref<32768xf32, #tpu.memory_space<vmem>>[vector<16xi32>], vector<16xf32>,
          %parallel_loop3A_424 = arith.index_cast %parallel_loop3A_328 : i32 to index
          %parallel_loop3A_425 = arith.constant 240 : index
          %parallel_loop3A_426 = tpu.vector_load %arg7[%parallel_loop3A_424, %parallel_loop3A_425] {strides = array<i32>} : memref<64x256xf32, #tpu.memory_space<vmem>>, vector<16xf32>,
          tpu.vector_store %arg7[%parallel_loop3A_424, %parallel_loop3A_425], %parallel_loop3A_423 {strides = array<i32>} : memref<64x256xf32, #tpu.memory_space<vmem>>, vector<16xf32>,
        } {sc.loop_unroll_factor = 8 : i64, sc.parallel_access}
        %add3A_291 = arith.constant 1 : i32
        %add3A_292 = arith.addi %mul3A_156, %add3A_291 : i32
        %jit3A_293 = arith.constant 2 : i32
        %div3A_294 = arith.divsi %add3A_292, %jit3A_293 : i32
        %sign3A_295 = arith.constant 0 : i32
        %sign3A_296 = arith.cmpi sgt, %add3A_292, %sign3A_295 : i32
        %sign3A_297 = arith.extui %sign3A_296 : i1 to i32
        %sign3A_298 = arith.constant 0 : i32
        %sign3A_299 = arith.cmpi slt, %add3A_292, %sign3A_298 : i32
        %sign3A_300 = arith.extui %sign3A_299 : i1 to i32
        %sign3A_301 = arith.subi %sign3A_297, %sign3A_300 : i32
        %sign3A_302 = arith.constant 0 : i32
        %sign3A_303 = arith.cmpi sgt, %jit3A_293, %sign3A_302 : i32
        %sign3A_304 = arith.extui %sign3A_303 : i1 to i32
        %sign3A_305 = arith.constant 0 : i32
        %sign3A_306 = arith.cmpi slt, %jit3A_293, %sign3A_305 : i32
        %sign3A_307 = arith.extui %sign3A_306 : i1 to i32
        %sign3A_308 = arith.subi %sign3A_304, %sign3A_307 : i32
        %ne3A_309 = arith.cmpi ne, %sign3A_301, %sign3A_308 : i32
        %rem3A_310 = arith.remsi %add3A_292, %jit3A_293 : i32
        %ne3A_311 = arith.constant 0 : i32
        %ne3A_312 = arith.cmpi ne, %rem3A_310, %ne3A_311 : i32
        %and3A_313 = arith.andi %ne3A_309, %ne3A_312 : i1
        %sub3A_314 = arith.constant 1 : i32
        %sub3A_315 = arith.subi %div3A_294, %sub3A_314 : i32
        %select_n3A_316 = arith.select %and3A_313, %sub3A_315, %div3A_294 : i32
        %rem3A_317 = arith.constant 2 : i32
        %rem3A_318 = arith.remsi %add3A_292, %rem3A_317 : i32
        %mul3A_319 = arith.constant 256 : i32
        %mul3A_320 = arith.muli %rem3A_318, %mul3A_319 : i32
        %add3A_321 = arith.addi %mul3A_2, %mul3A_320 : i32
        %dma_start3A_322 = arith.constant 0 : i32
        %dma_start3A_323 = tpu.memref_slice %arg3[%select_n3A_316, %dma_start3A_322, %add3A_321] : memref<26x64x16384xf32, #tpu.memory_space<hbm>> -> memref<1x64x256xf32, #tpu.memory_space<hbm>>
        %dma_start3A_324 = tpu.memref_squeeze %dma_start3A_323 : memref<1x64x256xf32, #tpu.memory_space<hbm>> -> memref<64x256xf32, #tpu.memory_space<hbm>>
        %dma_start3A_325 = arith.constant 0 : i32
        %dma_start3A_326 = tpu.memref_slice %arg3[%select_n3A_316, %dma_start3A_325, %add3A_321] : memref<26x64x16384xf32, #tpu.memory_space<hbm>> -> memref<1x64x256xf32, #tpu.memory_space<hbm>>
        %dma_start3A_327 = tpu.memref_squeeze %dma_start3A_326 : memref<1x64x256xf32, #tpu.memory_space<hbm>> -> memref<64x256xf32, #tpu.memory_space<hbm>>
        tpu.enqueue_dma source(%arg7 : memref<64x256xf32, #tpu.memory_space<vmem>>) target(%dma_start3A_327 : memref<64x256xf32, #tpu.memory_space<hbm>>) target_semaphore(%arg11 : memref<!tpu.dma_semaphore, #tpu.memory_space<semaphore_mem>>)
      } else {
      }
    }
    %scan3A_128 = arith.constant 26 : i32
    %rem3A_129 = arith.constant 50 : i32
    %rem3A_130 = arith.constant 2 : i32
    %rem3A_131 = arith.remsi %rem3A_129, %rem3A_130 : i32
    %mul3A_132 = arith.constant 256 : i32
    %mul3A_133 = arith.muli %rem3A_131, %mul3A_132 : i32
    %add3A_134 = arith.addi %mul3A_2, %mul3A_133 : i32
    %dma_wait3A = arith.constant 25 : i32
    %dma_wait3A_135 = arith.constant 0 : i32
    %dma_wait3A_136 = tpu.memref_slice %arg3[%dma_wait3A, %dma_wait3A_135, %add3A_134] : memref<26x64x16384xf32, #tpu.memory_space<hbm>> -> memref<1x64x256xf32, #tpu.memory_space<hbm>>
    %dma_wait3A_137 = tpu.memref_squeeze %dma_wait3A_136 : memref<1x64x256xf32, #tpu.memory_space<hbm>> -> memref<64x256xf32, #tpu.memory_space<hbm>>
    %dma_wait3A_138 = arith.constant 0 : i32
    %dma_wait3A_139 = tpu.memref_slice %arg3[%dma_wait3A, %dma_wait3A_138, %add3A_134] : memref<26x64x16384xf32, #tpu.memory_space<hbm>> -> memref<1x64x256xf32, #tpu.memory_space<hbm>>
    %dma_wait3A_140 = tpu.memref_squeeze %dma_wait3A_139 : memref<1x64x256xf32, #tpu.memory_space<hbm>> -> memref<64x256xf32, #tpu.memory_space<hbm>>
    tpu.wait_dma2 semaphore(%arg10 : memref<!tpu.dma_semaphore, #tpu.memory_space<semaphore_mem>>) src(%arg6 : memref<64x256xf32, #tpu.memory_space<vmem>>) dst(%dma_wait3A_140 : memref<64x256xf32, #tpu.memory_space<hbm>>)
    %rem3A_141 = arith.constant 51 : i32
    %rem3A_142 = arith.constant 2 : i32
    %rem3A_143 = arith.remsi %rem3A_141, %rem3A_142 : i32
    %mul3A_144 = arith.constant 256 : i32
    %mul3A_145 = arith.muli %rem3A_143, %mul3A_144 : i32
    %add3A_146 = arith.addi %mul3A_2, %mul3A_145 : i32
    %dma_wait3A_147 = arith.constant 25 : i32
    %dma_wait3A_148 = arith.constant 0 : i32
    %dma_wait3A_149 = tpu.memref_slice %arg3[%dma_wait3A_147, %dma_wait3A_148, %add3A_146] : memref<26x64x16384xf32, #tpu.memory_space<hbm>> -> memref<1x64x256xf32, #tpu.memory_space<hbm>>
    %dma_wait3A_150 = tpu.memref_squeeze %dma_wait3A_149 : memref<1x64x256xf32, #tpu.memory_space<hbm>> -> memref<64x256xf32, #tpu.memory_space<hbm>>
    %dma_wait3A_151 = arith.constant 0 : i32
    %dma_wait3A_152 = tpu.memref_slice %arg3[%dma_wait3A_147, %dma_wait3A_151, %add3A_146] : memref<26x64x16384xf32, #tpu.memory_space<hbm>> -> memref<1x64x256xf32, #tpu.memory_space<hbm>>
    %dma_wait3A_153 = tpu.memref_squeeze %dma_wait3A_152 : memref<1x64x256xf32, #tpu.memory_space<hbm>> -> memref<64x256xf32, #tpu.memory_space<hbm>>
    tpu.wait_dma2 semaphore(%arg11 : memref<!tpu.dma_semaphore, #tpu.memory_space<semaphore_mem>>) src(%arg7 : memref<64x256xf32, #tpu.memory_space<vmem>>) dst(%dma_wait3A_153 : memref<64x256xf32, #tpu.memory_space<hbm>>)
    return
  }
}

</mosaic_0001>

<sc_bundles>
// kernel: kernel.3.cloned.1.call-start
scs
__scs_entry_jumppad:
0x0: {  	(pc) =	sbr.rel $0x88, $3  }
0x1: {  	(tag) =	ssettag $0x0;
	lr =	simm.s32 $0x1  }
0x2: {  	[smem:$0x3FA0] =	sst lr;
	_ =	strace $0xD0000000  }
0x3: {  	_ = 	snop  }
0x4: {  	_ = 	snop  }
0x5: {  	_ = 	snop  }
0x6: {  	_ = 	snop  }
0x7: {  	_ = 	snop  }
__scs_overlays_trampoline_lowered:
0x8: {  	[smem:$0x3FAF] =	sst s0  }
0x9: {  	[smem:$0x3FB0] =	sst s1  }
0xa: {  	[smem:$0x3FB1] =	sst s2  }
0xb: {  	[smem:$0x3FB2] =	sst s3  }
0xc: {  	[smem:$0x3FB3] =	sst s4  }
0xd: {  	[smem:$0x3FB4] =	sst s5  }
0xe: {  	[smem:$0x3FB5] =	sst s6  }
0xf: {  	[smem:$0x3FB6] =	sst s7  }
0x10: {  	[smem:$0x3FB7] =	sst s8  }
0x11: {  	[smem:$0x3FB8] =	sst s9;
	s0 =	simm.s32 @!p0 $0x0  }
0x12: {  	s1 =	sld [smem:$0x3F9E];
	s0 =	simm.s32 @p0 $0x1  }
0x13: {  	[smem:$0x3FB9] =	sst s0;
	s0 =	simm.s32 @!p1 $0x0  }
0x14: {  	s2 =	sld [smem:$0x3F9D];
	s0 =	simm.s32 @p1 $0x1  }
0x15: {  	[smem:$0x3FBA] =	sst s0;
	s0 =	simm.s32 @!p2 $0x0  }
0x16: {  	s3 =	sld [smem:$0x3FDB];
	s0 =	simm.s32 @p2 $0x1  }
0x17: {  	s4 =	simm.s32 $0x1BF5;
	[smem:$0x3FBC] =	sst s0  }
0x18: {  	s0 =	sld [smem:$0x3F9F];
	_ =	swait.ge [sflag:s4], $0x0  }
0x19: {  	s7 =	sld [smem:$0x3FA0]  }
0x1a: {  	s8 =	sadd.s32 $0xFFFFE003, lr  }
0x1b: {  	s9 =	sadd.s32 $0xFFFFFEF7, lr;
	s5 =	simm.s32 $0xFFFFFFFF;
	p2 =	slt.u32 s8, $0xFFFFF086  }
0x1c: {  	p1 =	slt.u32 s9, $0xF7A;
	s5 =	simm.s32 @!p2 $0x0  }
0x1d: {  	s5 =	simm.s32 @p1 $0x1;
	p0 =	seq.s32 s7, s2  }
0x1e: {  	s7 =	smul.u32 @!p0 $0xF7A, s2;
	p2 =	seq.s32 @!p0 s5, $0x0  }
0x1f: {  	s9 =	smul.u32 $0xF7A, s1;
	s8 =	simm.s32 @!p0 $0x1BF5;
	p2 =	por !p2, p0  }
0x20: {  	[sflag:s8] =	ssyncset.s32 @!p0 $0xFFFFF086;
	s6 =	sadd.s32 @!p0 s3, s7;
	s7 =	simm.s32 @!p0 $0x108  }
0x21: {  	s3 =	sadd.s32 s3, s9;
	s6 =	sadd.s32 @!p0 $0x88, s6;
	s7 =	simm.s32 @p2 $0x1082  }
0x22: {  	[simem:s7], [sflag:s8] =	dma.local @!p0 [hbm:s6], $0xF7A  }
0x23: {  	s9 =	sor.u32 $0xD0000000, s2;
	s6 =	simm.s32 $0x108;
	_ =	swait.ge @!p0 [sflag:s8], $0x0  }
0x24: {  	s3 =	sadd.s32 $0x88, s3;
	s6 =	simm.s32 @!p1 $0x1082;
	[sflag:s4] =	ssyncset.s32 $0xFFFFF086  }
0x25: {  	[simem:s6], [sflag:s4] =	dma.local [hbm:s3], $0xF7A  }
0x26: {  	[smem:$0x3FA0] =	sst s1;
	(tag) =	ssettag s2;
	_ =	strace s9  }
0x27: {  	s1 =	sld [smem:$0x3FB0]  }
0x28: {  	s2 =	sld [smem:$0x3FB1]  }
0x29: {  	s4 =	sld [smem:$0x3FB3]  }
0x2a: {  	p0 =	seq.s32 s5, $0x0;
	s5 =	sld [smem:$0x3FB4]  }
0x2b: {  	s6 =	sld [smem:$0x3FB5]  }
0x2c: {  	s7 =	sld [smem:$0x3FB6]  }
0x2d: {  	s3 =	simm.s32 $0x108;
	s8 =	sld [smem:$0x3FB7]  }
0x2e: {  	s3 =	simm.s32 @!p0 $0x1082;
	s9 =	sld [smem:$0x3FB8]  }
0x2f: {  	lr =	sadd.s32 s0, s3;
	s0 =	sld [smem:$0x3FAF]  }
0x30: {  	s3 =	sld [smem:$0x3FB2]  }
0x31: {  	[smem:$0x3FBB] =	sst s10  }
0x32: {  	s10 =	sld [smem:$0x3FB9];
	_ =	sdelay $0x3  }
0x33: {  	p0 =	seq.s32 s10, $0x1;
	s10 =	sld [smem:$0x3FBB];
	_ =	sdelay $0x3  }
0x34: {  	[smem:$0x3FBB] =	sst s10  }
0x35: {  	s10 =	sld [smem:$0x3FBA];
	_ =	sdelay $0x3  }
0x36: {  	p1 =	seq.s32 s10, $0x1;
	s10 =	sld [smem:$0x3FBB];
	_ =	sdelay $0x3  }
0x37: {  	[smem:$0x3FBB] =	sst s10  }
0x38: {  	s10 =	sld [smem:$0x3FBC]  }
0x39: {  	_ = 	snop;
	(pc) =	sbr.ind lr, $3  }
0x3a: {  	_ = 	snop  }
0x3b: {  	_ = 	snop  }
0x3c: {  	p2 =	seq.s32 s10, $0x1;
	s10 =	sld [smem:$0x3FBB]  }
0x3d: {  	_ =	shalt  }
0x3e: {  	_ =	shalt  }
0x3f: {  	_ =	shalt  }
0x40: {  	_ =	shalt  }
0x41: {  	_ =	shalt  }
0x42: {  	_ =	shalt  }
0x43: {  	_ =	shalt  }
0x44: {  	_ =	shalt  }
0x45: {  	_ =	shalt  }
0x46: {  	_ =	shalt  }
0x47: {  	_ =	shalt  }
0x48: {  	_ =	shalt  }
0x49: {  	_ =	shalt  }
0x4a: {  	_ =	shalt  }
0x4b: {  	_ =	shalt  }
0x4c: {  	_ =	shalt  }
0x4d: {  	_ =	shalt  }
0x4e: {  	_ =	shalt  }
0x4f: {  	_ =	shalt  }
0x50: {  	_ =	shalt  }
0x51: {  	_ =	shalt  }
0x52: {  	_ =	shalt  }
0x53: {  	_ =	shalt  }
0x54: {  	_ =	shalt  }
0x55: {  	_ =	shalt  }
0x56: {  	_ =	shalt  }
0x57: {  	_ =	shalt  }
0x58: {  	_ =	shalt  }
0x59: {  	_ =	shalt  }
0x5a: {  	_ =	shalt  }
0x5b: {  	_ =	shalt  }
0x5c: {  	_ =	shalt  }
0x5d: {  	_ =	shalt  }
0x5e: {  	_ =	shalt  }
0x5f: {  	_ =	shalt  }
0x60: {  	_ =	shalt  }
0x61: {  	_ =	shalt  }
0x62: {  	_ =	shalt  }
0x63: {  	_ =	shalt  }
0x64: {  	_ =	shalt  }
0x65: {  	_ =	shalt  }
0x66: {  	_ =	shalt  }
0x67: {  	_ =	shalt  }
0x68: {  	_ =	shalt  }
0x69: {  	_ =	shalt  }
0x6a: {  	_ =	shalt  }
0x6b: {  	_ =	shalt  }
0x6c: {  	_ =	shalt  }
0x6d: {  	_ =	shalt  }
0x6e: {  	_ =	shalt  }
0x6f: {  	_ =	shalt  }
0x70: {  	_ =	shalt  }
0x71: {  	_ =	shalt  }
0x72: {  	_ =	shalt  }
0x73: {  	_ =	shalt  }
0x74: {  	_ =	shalt  }
0x75: {  	_ =	shalt  }
0x76: {  	_ =	shalt  }
0x77: {  	_ =	shalt  }
0x78: {  	_ =	shalt  }
0x79: {  	_ =	shalt  }
0x7a: {  	_ =	shalt  }
0x7b: {  	_ =	shalt  }
0x7c: {  	_ =	shalt  }
0x7d: {  	_ =	shalt  }
0x7e: {  	_ =	shalt  }
0x7f: {  	_ =	shalt  }
0x80: {  	_ =	shalt  }
0x81: {  	_ =	shalt  }
0x82: {  	_ =	shalt  }
0x83: {  	_ =	shalt  }
0x84: {  	_ =	shalt  }
0x85: {  	_ =	shalt  }
0x86: {  	_ =	shalt  }
0x87: {  	_ =	shalt  }
.Lfunc_end0:
.L_simem_size_0:
called_computation_lowered:
.L_overlay_start_0:
0x88: {  	s2 =	sld [smem:$0x3FD9]  }
0x89: {  	s3 =	sld [smem:$0x3FFE];
	_ =	sdelay $0x1  }
0x8a: {  	s1 =	srdreg.scid  }
0x8b: {  	s0 =	sand.u32 $0x1, s1  }
0x8c: {  	s18 =	sshll.u32 s0, $0xA;
	s2 =	sadd.s32 s3, s2  }
0x8d: {  	s2 =	sadd.s32 s2, s18  }
0x8e: {  	[smem:$0x3FC7] =	sst s2  }
0x8f: {  	_ = 	snop  }
0x90: {  	s2 =	sld [smem:$0x3FC9]  }
0x91: {  	s19 =	sld [smem:$0x3FD0];
	(tm) =	ssettm $0x1  }
0x92: {  	s4 =	sld [smem:$0x3FFB];
	_ =	sdelay $0x3  }
0x93: {  	_ =	strace s4  }
0x94: {  	s4 =	sld [smem:$0x3FFC];
	_ =	sdelay $0x3  }
0x95: {  	_ =	strace s4  }
0x96: {  	s4 =	sld [smem:$0x3FFD];
	_ =	sdelay $0x3  }
0x97: {  	_ =	strace s4  }
0x98: {  	_ =	strace $0x8FFFFFFF  }
0x99: {  	s20 =	sld [smem:$0x3FDB];
	_ =	sdelay $0x1  }
0x9a: {  	s5 =	simm.s32 $_scs_section_size  }
0x9b: {  	s6 =	simm.s32 $_size__tile_overlayer_lowered;
	s7 =	simm.s32 $_tile_overlayer_lowered  }
0x9c: {  	s23 =	simm.s32 $0x1BFF;
	s22 =	sshll.u32 s7, $0x1;
	s4 =	sadd.s32 s5, s20  }
0x9d: {  	s8 =	simm.s32 $0x0;
	s21 =	sshll.u32 s6, $0x1;
	s6 =	sadd.s32 s22, s4  }
0x9e: {  	[timem:s8], [sflag:s23] =	dma.local [hbm:s6], s21  }
0x9f: {  	_ =	swait.ge [sflag:s23], s21  }
0xa0: {  	s5 =	ssub.s32 $0x0, s21;
	[sflag:s23] =	ssyncset.done $0x0  }
0xa1: {  	[sflag:s23] =	ssyncadd.s32 s5;
	_ =	sdelay $0x1  }
0xa2: {  	s24 =	simm.s32 $0x1B8B  }
0xa3: {  	_ =	swait.ge [sflag:s24], $0x1  }
0xa4: {  	[sflag:s24] =	ssyncset.done $0x0  }
0xa5: {  	s25 =	simm.s32 $0x1B8E;
	[sflag:s24] =	ssyncadd.s32 $0xFFFFFFFF  }
0xa6: {  	s26 =	simm.s32 $execute0_lowered;
	[smem:$0x3FD2] =	sst s25  }
0xa7: {  	s5 =	sshll.u32 s26, $0x1;
	_ =	strace $0x80000046;
	[dreg:$0x1] =	wrdreg $0xFFFFFFFF  }
0xa8: {  	s28 =	simm.s32 $_size_execute0_lowered;
	s4 =	sadd.s32 s4, s5;
	[dreg:$0x0] =	wrdreg $0x0  }
0xa9: {  	s5 =	sshll.u32 s28, $0x1;
	[dreg:$0x2] =	wrdreg s4  }
0xaa: {  	[dreg:$0x3] =	wrdreg s5  }
0xab: {  	[dreg:$0x4] =	wrdreg $0xC0  }
0xac: {  	_ =	task [dreg:s8], $0x5FFFF  }
0xad: {  	[dreg:$0x1] =	wrdreg $0xFFFFFFFF  }
0xae: {  	[dreg:$0x0] =	wrdreg $0x60  }
0xaf: {  	[dreg:$0x2] =	wrdreg s2  }
0xb0: {  	[dreg:$0x3] =	wrdreg s19  }
0xb1: {  	[dreg:$0x4] =	wrdreg $0x9  }
0xb2: {  	_ =	task.clear_ibuf [dreg:s8], $0x5FFFF;
	_ =	strace $0x90000046  }
0xb3: {  	s29 =	simm.s32 $0x9;
	_ =	strace $0x80000048  }
0xb4: {  	_ =	swait.ge [sflag:s29], $0x1  }
0xb5: {  	[sflag:s29] =	ssyncadd.s32 $0xFFFFFFFF  }
0xb6: {  	_ =	strace $0x90000048  }
0xb7: {  	_ =	sfence  }
0xb8: {  	s30 =	sld [smem:$0x0];
	_ =	sdelay $0x2  }
0xb9: {  	s31 =	sshll.u32 s1, $0xD;
	s1 =	sshrl.u32 s1, $0x2  }
0xba: {  	s3 =	sand.u32 $0x4000, s31;
	s1 =	sadd.s32 s1, s30  }
0xbb: {  	s0 =	sor.u32 s3, s0;
	s1 =	sshll.u32 s1, $0x11  }
0xbc: {  	s0 =	sor.u32 s1, s0  }
0xbd: {  	s0 =	sadd.s32 $0x8F2B, s0  }
0xbe: {  	[sflag:s0] =	ssyncadd.remote.s32 $0x1  }
0xbf: {  	_ =	sfence.sel $0xFFFF  }
0xc0: {  	[dreg:$0x0] =	wrdreg $0xFFFFFFFF;
	(pc) =	sbr.abs _section_cstart, $3  }
0xc1: {  	[dreg:$0x1] =	wrdreg $0xFFFFFFFF  }
0xc2: {  	_ =	task.clear_ibuf [dreg:s8], $0x2FFFF;
	_ =	strace $0x9FFFFFFF  }
0xc3: {  	(tm) =	ssettm $0x7FFFFFFF  }
tec
execute0_lowered:
.L_overlay_start_1:
0x0: {  	(tag) =	ssettag $0x1  }
0x1: {  	s0 =	rddreg [dreg:$0x0]  }
0x2: {  	s1 =	rddreg [dreg:$0x1]  }
0x3: {  	s3 =	srdreg.scid;
	s4 =	stileid.u32;
	s2 =	simm.s32 $0x0  }
0x4: {  	s9 =	simm.s32 $0x8000;
	s10 =	simm.s32 $0x1;
	s11 =	simm.s32 $0x800  }
0x5: {  	v0 =	vlaneseq.u32;
	s12 =	simm.s32 $0x20000;
	s13 =	simm.s32 $0x10000;
	s14 =	simm.s32 $0x2  }
0x6: {  	s15 =	simm.s32 $0x4;
	s16 =	simm.s32 $0x14000;
	s18 =	simm.s32 $0x0;
	v0 =	vmul.u32 $0x80, v0  }
0x7: {  	s3 =	sand.u32 $0x1, s3;
	s4 =	sshll.u32 s4, $0x1;
	[smem:$0x7FF] =	sst s2  }
0x8: {  	s5 =	ssub.s32 $0x2, s3;
	s3 =	sor.u32 s3, s4;
	_ =	strace $0x80000047;
	v1 =	vor.u32 $0x800, v0;
	v2 =	vor.u32 $0x1000, v0;
	v3 =	vor.u32 $0x1800, v0  }
0x9: {  	s30 =	sshrl.u32 s5, $0x1;
	s6 =	sshll.u32 s3, $0xD;
	s3 =	sshll.u32 s3, $0x9;
	v4 =	vor.u32 $0x2000, v0;
	v5 =	vor.u32 $0x2800, v0;
	v6 =	vor.u32 $0x3000, v0  }
0xa: {  	v7 =	vor.u32 $0x3800, v0;
	v8 =	vor.u32 $0x4000, v0;
	v9 =	vor.u32 $0x4800, v0;
	s8 =	ssub.s32 s5, s30;
	s0 =	sadd.s32 s0, s6;
	s5 =	sadd.s32 s1, s3  }
0xb: {  	v10 =	vor.u32 $0x5000, v0;
	v11 =	vor.u32 $0x5800, v0;
	v12 =	vor.u32 $0x6000, v0;
	s4 =	sadd.s32 $0x1000, s0;
	[dreg:$0x3] =	wrdreg s0;
	s31 =	smax.u32 s8, $0x1  }
0xc: {  	v13 =	vor.u32 $0x6800, v0;
	v14 =	vor.u32 $0x7000, v0;
	v15 =	vor.u32 $0x7800, v0;
	s6 =	sadd.s32 $0x40000, s0;
	s7 =	sadd.s32 $0x100, s5;
	[dreg:$0x4] =	wrdreg s31  }
.LBB2_1:
0xd: {  	s0 =	rddreg [dreg:$0x3];
	s19 =	simm.s32 $0x0  }
0xe: {  	[tilespmem:s2], [sflag:$0x1] =	stream.linear.gather [hbm4b:s0+s2], $0x8000, $0x38;
	[tilespmem:$0x18000] =	vst v63  }
.LBB2_2:
0xf: {  	s21 =	sshll.u32 s19, $0x12  }
0x10: {  	s0 =	sadd.s32 s21, s4  }
0x11: {  	[tilespmem:s9], [sflag:$0x2] =	stream.linear.gather [hbm4b:s0+s2], $0x8000, $0x38;
	[tilespmem:$0x18000] =	vst v63  }
0x12: {  	s28 =	simm.s32 $0xC;
	_ =	swait.ge [sflag:s10], $0x8000  }
0x13: {  	p0 =	seq.s32 s19, $0x0;
	s31 =	simm.s32 $0x8;
	v16 =	vor.u32 s28, v0;
	[sflag:s10] =	ssyncset.done $0x0  }
0x14: {  	s1 =	simm.s32 $0x2;
	s3 =	simm.s32 @!p0 $0x3;
	v17 =	vor.u32 s31, v0;
	[sflag:s10] =	ssyncadd.s32 $0xFFFF8000  }
0x15: {  	s22 =	simm.s32 $0x4;
	v18 =	vor.u32 s1, v0;
	_ =	swait.ge @!p0 [sflag:s3], $0x4000  }
0x16: {  	s20 =	simm.s32 $0xE;
	v19 =	vor.u32 s22, v0;
	[sflag:s3] =	ssyncset.done @!p0 $0x0  }
0x17: {  	s26 =	simm.s32 $0xA;
	v20 =	vor.u32 s20, v0;
	[sflag:s3] =	ssyncadd.s32 @!p0 $0xFFFFC000  }
0x18: {  	v21 =	vor.u32 s26, v0;
	v16 =	vld.idx.msk [tilespmem:v16+s2+$0x0], $0xffff  }
0x19: {  	v22 =	vor.u32 s28, v1;
	v17 =	vld.idx.msk [tilespmem:v17+s2+$0x0], $0xffff  }
0x1a: {  	v23 =	vor.u32 s31, v1;
	v18 =	vld.idx.msk [tilespmem:v18+s2+$0x0], $0xffff  }
0x1b: {  	v24 =	vor.u32 s1, v1;
	v19 =	vld.idx.msk [tilespmem:v19+s2+$0x0], $0xffff  }
0x1c: {  	s25 =	simm.s32 $0x10400;
	s23 =	simm.s32 $0x0;
	v25 =	vor.u32 s22, v1;
	v20 =	vld.idx.msk [tilespmem:v20+s2+$0x0], $0xffff  }
0x1d: {  	v26 =	vor.u32 s23, v0;
	v21 =	vld.idx.msk [tilespmem:v21+s2+$0x0], $0xffff;
	[tilespmem:s25+$0xFFFFFF00] =	vst v16  }
0x1e: {  	v16 =	vor.u32 s26, v1;
	[tilespmem:s25+$0xFFFFFE00] =	vst v17;
	v17 =	vld.idx.msk [tilespmem:v22+s2+$0x0], $0xffff  }
0x1f: {  	[tilespmem:s25+$0xFFFFFC80] =	vst v18;
	v18 =	vor.u32 s28, v2;
	v22 =	vld.idx.msk [tilespmem:v23+s2+$0x0], $0xffff  }
0x20: {  	[tilespmem:s25+$0xFFFFFD00] =	vst v19;
	v19 =	vld.idx.msk [tilespmem:v24+s2+$0x0], $0xffff;
	v23 =	vor.u32 s31, v2  }
0x21: {  	v52 =	vor.u32 s1, v2;
	v25 =	vld.idx.msk [tilespmem:v25+s2+$0x0], $0xffff  }
0x22: {  	s24 =	simm.s32 $0x6;
	v27 =	vor.u32 s22, v2;
	v26 =	vld.idx.msk [tilespmem:v26+s2+$0x0], $0xffff;
	[tilespmem:s25+$0xFFFFFE80] =	vst v21  }
0x23: {  	v21 =	vor.u32 s24, v0;
	v16 =	vld.idx.msk [tilespmem:v16+s2+$0x0], $0xffff;
	[tilespmem:s25+$0xFFFFFF10] =	vst v17  }
0x24: {  	v17 =	vor.u32 s26, v2;
	[tilespmem:s25+$0xFFFFFE10] =	vst v22;
	v18 =	vld.idx.msk [tilespmem:v18+s2+$0x0], $0xffff  }
0x25: {  	[tilespmem:s25+$0xFFFFFC90] =	vst v19;
	v19 =	vor.u32 s28, v3;
	v22 =	vld.idx.msk [tilespmem:v23+s2+$0x0], $0xffff  }
0x26: {  	v53 =	vor.u32 s31, v3;
	[tilespmem:s25+$0xFFFFFD10] =	vst v25;
	v23 =	vld.idx.msk [tilespmem:v52+s2+$0x0], $0xffff  }
0x27: {  	[tilespmem:s25+$0xFFFFFF80] =	vst v20;
	v20 =	vor.u32 s1, v3;
	v25 =	vld.idx.msk [tilespmem:v27+s2+$0x0], $0xffff  }
0x28: {  	v54 =	vor.u32 s22, v3;
	v21 =	vld.idx.msk [tilespmem:v21+s2+$0x0], $0xffff;
	[tilespmem:s25+$0xFFFFFE90] =	vst v16  }
0x29: {  	v16 =	vor.u32 s23, v1;
	v17 =	vld.idx.msk [tilespmem:v17+s2+$0x0], $0xffff;
	[tilespmem:s25+$0xFFFFFF20] =	vst v18  }
0x2a: {  	v18 =	vor.u32 s26, v3;
	[tilespmem:s25+$0xFFFFFE20] =	vst v22;
	v19 =	vld.idx.msk [tilespmem:v19+s2+$0x0], $0xffff  }
0x2b: {  	[tilespmem:s25+$0xFFFFFCA0] =	vst v23;
	v22 =	vor.u32 s28, v4;
	v23 =	vld.idx.msk [tilespmem:v53+s2+$0x0], $0xffff  }
0x2c: {  	v55 =	vor.u32 s31, v4;
	[tilespmem:s25+$0xFFFFFD20] =	vst v25;
	v20 =	vld.idx.msk [tilespmem:v20+s2+$0x0], $0xffff  }
0x2d: {  	v56 =	vor.u32 s1, v4;
	[tilespmem:s25+$0xFFFFFC00] =	vst v26;
	v57 =	vld.idx.msk [tilespmem:v54+s2+$0x0], $0xffff  }
0x2e: {  	v58 =	vor.u32 s22, v4;
	v16 =	vld.idx.msk [tilespmem:v16+s2+$0x0], $0xffff;
	[tilespmem:s25+$0xFFFFFEA0] =	vst v17  }
0x2f: {  	v17 =	vor.u32 s24, v1;
	v18 =	vld.idx.msk [tilespmem:v18+s2+$0x0], $0xffff;
	[tilespmem:s25+$0xFFFFFF30] =	vst v19  }
0x30: {  	v19 =	vor.u32 s26, v4;
	[tilespmem:s25+$0xFFFFFE30] =	vst v23;
	v22 =	vld.idx.msk [tilespmem:v22+s2+$0x0], $0xffff  }
0x31: {  	[tilespmem:s25+$0xFFFFFCB0] =	vst v20;
	v23 =	vor.u32 s28, v5;
	v20 =	vld.idx.msk [tilespmem:v55+s2+$0x0], $0xffff  }
0x32: {  	v60 =	vor.u32 s31, v5;
	[tilespmem:s25+$0xFFFFFD30] =	vst v57;
	v59 =	vld.idx.msk [tilespmem:v56+s2+$0x0], $0xffff  }
0x33: {  	v61 =	vor.u32 s1, v5;
	[tilespmem:s25+$0xFFFFFD80] =	vst v21;
	v21 =	vld.idx.msk [tilespmem:v58+s2+$0x0], $0xffff  }
0x34: {  	v17 =	vld.idx.msk [tilespmem:v17+s2+$0x0], $0xffff;
	[tilespmem:s25+$0xFFFFFEB0] =	vst v18;
	v18 =	vor.u32 s22, v5  }
0x35: {  	v62 =	vor.u32 s24, v2;
	v19 =	vld.idx.msk [tilespmem:v19+s2+$0x0], $0xffff;
	[tilespmem:s25+$0xFFFFFF40] =	vst v22  }
0x36: {  	[tilespmem:s25+$0xFFFFFE40] =	vst v20;
	v20 =	vor.u32 s26, v5;
	v22 =	vld.idx.msk [tilespmem:v23+s2+$0x0], $0xffff  }
0x37: {  	[tilespmem:s25+$0xFFFFFCC0] =	vst v59;
	v23 =	vor.u32 s23, v2;
	v63 =	vld.idx.msk [tilespmem:v60+s2+$0x0], $0xffff  }
0x38: {  	[tilespmem:s25+$0xFFFFFD40] =	vst v21;
	v21 =	vor.u32 s28, v6;
	v30 =	vld.idx.msk [tilespmem:v61+s2+$0x0], $0xffff  }
0x39: {  	[tilespmem:s25+$0xFFFFFD90] =	vst v17;
	v17 =	vor.u32 s31, v6;
	v18 =	vld.idx.msk [tilespmem:v18+s2+$0x0], $0xffff  }
0x3a: {  	v31 =	vor.u32 s1, v6;
	v27 =	vld.idx.msk [tilespmem:v62+s2+$0x0], $0xffff;
	[tilespmem:s25+$0xFFFFFEC0] =	vst v19  }
0x3b: {  	[tilespmem:s25+$0xFFFFFC10] =	vst v16;
	v16 =	vor.u32 s22, v6;
	v19 =	vld.idx.msk [tilespmem:v20+s2+$0x0], $0xffff  }
0x3c: {  	v20 =	vor.u32 s24, v3;
	v23 =	vld.idx.msk [tilespmem:v23+s2+$0x0], $0xffff;
	[tilespmem:s25+$0xFFFFFF50] =	vst v22  }
0x3d: {  	[tilespmem:s25+$0xFFFFFE50] =	vst v63;
	v22 =	vor.u32 s26, v6;
	v21 =	vld.idx.msk [tilespmem:v21+s2+$0x0], $0xffff  }
0x3e: {  	v32 =	vor.u32 s23, v3;
	[tilespmem:s25+$0xFFFFFCD0] =	vst v30;
	v17 =	vld.idx.msk [tilespmem:v17+s2+$0x0], $0xffff  }
0x3f: {  	v25 =	vld.idx.msk [tilespmem:v31+s2+$0x0], $0xffff;
	[tilespmem:s25+$0xFFFFFD50] =	vst v18;
	v18 =	vor.u32 s28, v7  }
0x40: {  	v33 =	vor.u32 s31, v7;
	[tilespmem:s25+$0xFFFFFDA0] =	vst v27;
	v16 =	vld.idx.msk [tilespmem:v16+s2+$0x0], $0xffff  }
0x41: {  	v34 =	vor.u32 s1, v7;
	v20 =	vld.idx.msk [tilespmem:v20+s2+$0x0], $0xffff;
	[tilespmem:s25+$0xFFFFFED0] =	vst v19  }
0x42: {  	v19 =	vor.u32 s22, v7;
	[tilespmem:s25+$0xFFFFFC20] =	vst v23;
	v22 =	vld.idx.msk [tilespmem:v22+s2+$0x0], $0xffff  }
0x43: {  	v23 =	vor.u32 s24, v4;
	v24 =	vld.idx.msk [tilespmem:v32+s2+$0x0], $0xffff;
	[tilespmem:s25+$0xFFFFFF60] =	vst v21  }
0x44: {  	[tilespmem:s25+$0xFFFFFE60] =	vst v17;
	v17 =	vor.u32 s26, v7;
	v18 =	vld.idx.msk [tilespmem:v18+s2+$0x0], $0xffff  }
0x45: {  	v21 =	vor.u32 s23, v4;
	[tilespmem:s25+$0xFFFFFCE0] =	vst v25;
	v35 =	vld.idx.msk [tilespmem:v33+s2+$0x0], $0xffff  }
0x46: {  	v36 =	vld.idx.msk [tilespmem:v34+s2+$0x0], $0xffff;
	[tilespmem:s25+$0xFFFFFD60] =	vst v16;
	v16 =	vor.u32 s28, v8  }
0x47: {  	v37 =	vor.u32 s1, v8;
	v19 =	vld.idx.msk [tilespmem:v19+s2+$0x0], $0xffff;
	[tilespmem:s25+$0xFFFFFDB0] =	vst v20  }
0x48: {  	v20 =	vor.u32 s31, v8;
	v23 =	vld.idx.msk [tilespmem:v23+s2+$0x0], $0xffff;
	[tilespmem:s25+$0xFFFFFEE0] =	vst v22  }
0x49: {  	v22 =	vor.u32 s22, v8;
	[tilespmem:s25+$0xFFFFFC30] =	vst v24;
	v17 =	vld.idx.msk [tilespmem:v17+s2+$0x0], $0xffff  }
0x4a: {  	v38 =	vor.u32 s24, v5;
	v21 =	vld.idx.msk [tilespmem:v21+s2+$0x0], $0xffff;
	[tilespmem:s25+$0xFFFFFF70] =	vst v18  }
0x4b: {  	v18 =	vor.u32 s20, v1;
	[tilespmem:s25+$0xFFFFFCF0] =	vst v36;
	v16 =	vld.idx.msk [tilespmem:v16+s2+$0x0], $0xffff  }
0x4c: {  	v39 =	vor.u32 s26, v8;
	[tilespmem:s25+$0xFFFFFE70] =	vst v35;
	v26 =	vld.idx.msk [tilespmem:v37+s2+$0x0], $0xffff  }
0x4d: {  	v20 =	vld.idx.msk [tilespmem:v20+s2+$0x0], $0xffff;
	[tilespmem:s25+$0xFFFFFD70] =	vst v19;
	v19 =	vor.u32 s28, v9  }
0x4e: {  	v40 =	vor.u32 s1, v9;
	v22 =	vld.idx.msk [tilespmem:v22+s2+$0x0], $0xffff;
	[tilespmem:s25+$0xFFFFFDC0] =	vst v23  }
0x4f: {  	v23 =	vor.u32 s31, v9;
	v24 =	vld.idx.msk [tilespmem:v38+s2+$0x0], $0xffff;
	[tilespmem:s25+$0xFFFFFEF0] =	vst v17  }
0x50: {  	v17 =	vor.u32 s22, v9;
	[tilespmem:s25+$0xFFFFFC40] =	vst v21;
	v18 =	vld.idx.msk [tilespmem:v18+s2+$0x0], $0xffff  }
0x51: {  	v21 =	vor.u32 s23, v5;
	v25 =	vld.idx.msk [tilespmem:v39+s2+$0x0], $0xffff;
	[tilespmem:s25+$0x300] =	vst v16  }
0x52: {  	v16 =	vor.u32 s24, v6;
	[tilespmem:s25+$0x80] =	vst v26;
	v19 =	vld.idx.msk [tilespmem:v19+s2+$0x0], $0xffff  }
0x53: {  	[tilespmem:s25+$0x200] =	vst v20;
	v20 =	vor.u32 s20, v2;
	v26 =	vld.idx.msk [tilespmem:v40+s2+$0x0], $0xffff  }
0x54: {  	v23 =	vld.idx.msk [tilespmem:v23+s2+$0x0], $0xffff;
	[tilespmem:s25+$0x100] =	vst v22;
	v22 =	vor.u32 s28, v10  }
0x55: {  	v41 =	vor.u32 s26, v9;
	v17 =	vld.idx.msk [tilespmem:v17+s2+$0x0], $0xffff;
	[tilespmem:s25+$0xFFFFFDD0] =	vst v24  }
0x56: {  	v42 =	vor.u32 s1, v10;
	v21 =	vld.idx.msk [tilespmem:v21+s2+$0x0], $0xffff;
	[tilespmem:s25+$0xFFFFFF90] =	vst v18  }
0x57: {  	v18 =	vor.u32 s22, v10;
	[tilespmem:s25+$0x280] =	vst v25;
	v16 =	vld.idx.msk [tilespmem:v16+s2+$0x0], $0xffff  }
0x58: {  	v43 =	vor.u32 s23, v6;
	[tilespmem:s25+$0x310] =	vst v19;
	v19 =	vld.idx.msk [tilespmem:v20+s2+$0x0], $0xffff  }
0x59: {  	v20 =	vor.u32 s31, v10;
	[tilespmem:s25+$0x90] =	vst v26;
	v22 =	vld.idx.msk [tilespmem:v22+s2+$0x0], $0xffff  }
0x5a: {  	v44 =	vor.u32 s20, v3;
	[tilespmem:s25+$0x210] =	vst v23;
	v23 =	vld.idx.msk [tilespmem:v41+s2+$0x0], $0xffff  }
0x5b: {  	v26 =	vld.idx.msk [tilespmem:v42+s2+$0x0], $0xffff;
	[tilespmem:s25+$0x110] =	vst v17;
	v17 =	vor.u32 s28, v11  }
0x5c: {  	v45 =	vor.u32 s1, v11;
	[tilespmem:s25+$0xFFFFFC50] =	vst v21;
	v18 =	vld.idx.msk [tilespmem:v18+s2+$0x0], $0xffff  }
0x5d: {  	v21 =	vor.u32 s26, v10;
	v25 =	vld.idx.msk [tilespmem:v43+s2+$0x0], $0xffff;
	[tilespmem:s25+$0xFFFFFDE0] =	vst v16  }
0x5e: {  	v16 =	vor.u32 s24, v7;
	v20 =	vld.idx.msk [tilespmem:v20+s2+$0x0], $0xffff;
	[tilespmem:s25+$0xFFFFFFA0] =	vst v19  }
0x5f: {  	v19 =	vor.u32 s22, v11;
	[tilespmem:s25+$0x320] =	vst v22;
	v22 =	vld.idx.msk [tilespmem:v44+s2+$0x0], $0xffff  }
0x60: {  	v46 =	vor.u32 s23, v7;
	[tilespmem:s25+$0xA0] =	vst v26;
	v17 =	vld.idx.msk [tilespmem:v17+s2+$0x0], $0xffff  }
0x61: {  	[tilespmem:s25+$0x290] =	vst v23;
	v23 =	vor.u32 s20, v4;
	v26 =	vld.idx.msk [tilespmem:v45+s2+$0x0], $0xffff  }
0x62: {  	v21 =	vld.idx.msk [tilespmem:v21+s2+$0x0], $0xffff;
	[tilespmem:s25+$0x120] =	vst v18;
	v18 =	vor.u32 s28, v12  }
0x63: {  	v48 =	vor.u32 s1, v12;
	v16 =	vld.idx.msk [tilespmem:v16+s2+$0x0], $0xffff;
	[tilespmem:s25+$0xFFFFFC60] =	vst v25  }
0x64: {  	v47 =	vor.u32 s26, v11;
	v19 =	vld.idx.msk [tilespmem:v19+s2+$0x0], $0xffff;
	[tilespmem:s25+$0xFFFFFFB0] =	vst v22  }
0x65: {  	v49 =	vor.u32 s31, v11;
	v22 =	vld.idx.msk [tilespmem:v46+s2+$0x0], $0xffff;
	[tilespmem:s25+$0x330] =	vst v17  }
0x66: {  	v17 =	vor.u32 s22, v12;
	v23 =	vld.idx.msk [tilespmem:v23+s2+$0x0], $0xffff;
	[tilespmem:s25+$0xB0] =	vst v26  }
0x67: {  	[tilespmem:s25+$0x2A0] =	vst v21;
	v21 =	vor.u32 s23, v8;
	v18 =	vld.idx.msk [tilespmem:v18+s2+$0x0], $0xffff  }
0x68: {  	v51 =	vor.u32 s20, v5;
	[tilespmem:s25+$0x220] =	vst v20;
	v20 =	vld.idx.msk [tilespmem:v48+s2+$0x0], $0xffff  }
0x69: {  	v52 =	vor.u32 s28, v13;
	v50 =	vld.idx.msk [tilespmem:v47+s2+$0x0], $0xffff  }
0x6a: {  	v53 =	vor.u32 s26, v12;
	[tilespmem:s25+$0x130] =	vst v19;
	v19 =	vld.idx.msk [tilespmem:v49+s2+$0x0], $0xffff  }
0x6b: {  	[tilespmem:s25+$0xFFFFFC70] =	vst v22;
	v22 =	vor.u32 s24, v8;
	v17 =	vld.idx.msk [tilespmem:v17+s2+$0x0], $0xffff  }
0x6c: {  	[tilespmem:s25+$0xFFFFFFC0] =	vst v23;
	v23 =	vor.u32 s31, v12;
	v21 =	vld.idx.msk [tilespmem:v21+s2+$0x0], $0xffff  }
0x6d: {  	[tilespmem:s25+$0x340] =	vst v18;
	v18 =	vor.u32 s22, v13;
	v27 =	vld.idx.msk [tilespmem:v51+s2+$0x0], $0xffff  }
0x6e: {  	v54 =	vor.u32 s23, v9;
	[tilespmem:s25+$0x2B0] =	vst v50;
	v25 =	vld.idx.msk [tilespmem:v52+s2+$0x0], $0xffff  }
0x6f: {  	v55 =	vor.u32 s20, v6;
	[tilespmem:s25+$0xFFFFFDF0] =	vst v16;
	v16 =	vld.idx.msk [tilespmem:v53+s2+$0x0], $0xffff  }
0x70: {  	v57 =	vor.u32 s1, v13;
	[tilespmem:s25+$0x230] =	vst v19;
	v19 =	vld.idx.msk [tilespmem:v22+s2+$0x0], $0xffff  }
0x71: {  	v22 =	vor.u32 s28, v14;
	[tilespmem:s25+$0x140] =	vst v17;
	v17 =	vld.idx.msk [tilespmem:v23+s2+$0x0], $0xffff  }
0x72: {  	v23 =	vor.u32 s26, v13;
	[tilespmem:s25+$0x0] =	vst v21;
	v21 =	vld.idx.msk [tilespmem:v18+s2+$0x0], $0xffff  }
0x73: {  	v18 =	vor.u32 s24, v9;
	[tilespmem:s25+$0xFFFFFFD0] =	vst v27;
	v26 =	vld.idx.msk [tilespmem:v54+s2+$0x0], $0xffff  }
0x74: {  	[tilespmem:s25+$0xC0] =	vst v20;
	v24 =	vld.idx.msk [tilespmem:v55+s2+$0x0], $0xffff  }
0x75: {  	v56 =	vor.u32 s31, v13;
	[tilespmem:s25+$0x350] =	vst v25;
	v25 =	vld.idx.msk [tilespmem:v57+s2+$0x0], $0xffff  }
0x76: {  	[tilespmem:s25+$0x2C0] =	vst v16;
	v16 =	vor.u32 s23, v10;
	v22 =	vld.idx.msk [tilespmem:v22+s2+$0x0], $0xffff  }
0x77: {  	[tilespmem:s25+$0x180] =	vst v19;
	v19 =	vor.u32 s20, v7;
	v23 =	vld.idx.msk [tilespmem:v23+s2+$0x0], $0xffff  }
0x78: {  	[tilespmem:s25+$0x240] =	vst v17;
	v17 =	vld.idx.msk [tilespmem:v18+s2+$0x0], $0xffff;
	v18 =	vor.u32 s28, v15  }
0x79: {  	v58 =	vor.u32 s26, v14;
	[tilespmem:s25+$0x10] =	vst v26  }
0x7a: {  	v59 =	vor.u32 s24, v10;
	v20 =	vld.idx.msk [tilespmem:v56+s2+$0x0], $0xffff;
	[tilespmem:s25+$0xFFFFFFE0] =	vst v24  }
0x7b: {  	v60 =	vor.u32 s31, v14;
	[tilespmem:s25+$0xD0] =	vst v25;
	v16 =	vld.idx.msk [tilespmem:v16+s2+$0x0], $0xffff  }
0x7c: {  	[tilespmem:s25+$0x360] =	vst v22;
	v22 =	vor.u32 s1, v14;
	v19 =	vld.idx.msk [tilespmem:v19+s2+$0x0], $0xffff  }
0x7d: {  	[tilespmem:s25+$0x2D0] =	vst v23;
	v23 =	vor.u32 s23, v11;
	v18 =	vld.idx.msk [tilespmem:v18+s2+$0x0], $0xffff  }
0x7e: {  	[tilespmem:s25+$0x190] =	vst v17;
	v17 =	vor.u32 s20, v8;
	v27 =	vld.idx.msk [tilespmem:v58+s2+$0x0], $0xffff  }
0x7f: {  	v61 =	vor.u32 s26, v15;
	[tilespmem:s25+$0x250] =	vst v20;
	v20 =	vld.idx.msk [tilespmem:v59+s2+$0x0], $0xffff  }
0x80: {  	v24 =	vld.idx.msk [tilespmem:v60+s2+$0x0], $0xffff;
	[tilespmem:s25+$0x20] =	vst v16;
	v16 =	vor.u32 s24, v11  }
0x81: {  	v62 =	vor.u32 s31, v15;
	v22 =	vld.idx.msk [tilespmem:v22+s2+$0x0], $0xffff;
	[tilespmem:s25+$0xFFFFFFF0] =	vst v19  }
0x82: {  	v19 =	vld.idx.msk [tilespmem:v23+s2+$0x0], $0xffff;
	v23 =	vor.u32 s1, v15;
	[tilespmem:s25+$0x370] =	vst v18  }
0x83: {  	v30 =	vor.u32 s22, v14;
	v28 =	vld.idx.msk [tilespmem:v17+s2+$0x0], $0xffff;
	[tilespmem:s25+$0x2E0] =	vst v27  }
0x84: {  	v29 =	vor.u32 s23, v12;
	[tilespmem:s25+$0x1A0] =	vst v20;
	v25 =	vld.idx.msk [tilespmem:v61+s2+$0x0], $0xffff  }
0x85: {  	v63 =	vor.u32 s20, v9;
	[tilespmem:s25+$0x260] =	vst v24;
	v17 =	vld.idx.msk [tilespmem:v16+s2+$0x0], $0xffff  }
0x86: {  	v18 =	vld.idx.msk [tilespmem:v62+s2+$0x0], $0xffff;
	[tilespmem:s25+$0xE0] =	vst v22  }
0x87: {  	[tilespmem:s25+$0x150] =	vst v21;
	v16 =	vld.idx.msk [tilespmem:v23+s2+$0x0], $0xffff  }
0x88: {  	[tilespmem:s25+$0x30] =	vst v19;
	v19 =	vld.idx.msk [tilespmem:v30+s2+$0x0], $0xffff  }
0x89: {  	v20 =	vld.idx.msk [tilespmem:v29+s2+$0x0], $0xffff;
	[tilespmem:s25+$0x380] =	vst v28  }
0x8a: {  	s29 =	simm.s32 $0x1E;
	s26 =	simm.s32 $0x10400;
	s28 =	simm.s32 $0x0;
	v21 =	vor.u32 s23, v13;
	v22 =	vld.idx.msk [tilespmem:v63+s2+$0x0], $0xffff;
	[tilespmem:s25+$0x2F0] =	vst v25  }
.LBB2_3:
0x8b: {  	s17 =	sadd.s32 $0xFFFFFFF2, s29;
	v23 =	vor.u32 s29, v0;
	s28 =	sadd.s32 $0x8, s28;
	s25 =	sadd.s32 $0x800, s25  }
0x8c: {  	s30 =	sadd.s32 $0xFFFFFFF4, s29;
	v24 =	vor.u32 s17, v0;
	p1 =	slt.u32 s28, $0x38;
	[tilespmem:s26+$0x270] =	vst v18  }
0x8d: {  	s3 =	sadd.s32 $0xFFFFFFF6, s29;
	v18 =	vor.u32 s30, v0;
	[tilespmem:s26+$0xF0] =	vst v16  }
0x8e: {  	s8 =	sadd.s32 $0xFFFFFFF8, s29;
	v16 =	vor.u32 s3, v0;
	[tilespmem:s26+$0x40] =	vst v20  }
0x8f: {  	s31 =	sadd.s32 $0xFFFFFFFA, s29;
	v20 =	vor.u32 s8, v0;
	v21 =	vld.idx.msk [tilespmem:v21+s2+$0x0], $0xffff;
	[tilespmem:s26+$0x390] =	vst v22;
	v22 =	vor.u32 s20, v10  }
0x90: {  	s0 =	sadd.s32 $0xFFFFFFFC, s29;
	v25 =	vor.u32 s31, v0;
	v23 =	vld.idx.msk [tilespmem:v23+s2+$0x0], $0xffff;
	[tilespmem:s26+$0x160] =	vst v19  }
0x91: {  	s1 =	sadd.s32 $0xFFFFFFFE, s29;
	v26 =	vor.u32 s23, v14;
	v19 =	vld.idx.msk [tilespmem:v24+s2+$0x0], $0xffff;
	v24 =	vor.u32 s0, v0  }
0x92: {  	v27 =	vor.u32 s1, v0;
	v18 =	vld.idx.msk [tilespmem:v18+s2+$0x0], $0xffff  }
0x93: {  	v28 =	vor.u32 s17, v1;
	v16 =	vld.idx.msk [tilespmem:v16+s2+$0x0], $0xffff  }
0x94: {  	v29 =	vor.u32 s30, v1;
	v22 =	vld.idx.msk [tilespmem:v22+s2+$0x0], $0xffff  }
0x95: {  	v30 =	vor.u32 s3, v1;
	v31 =	vld.idx.msk [tilespmem:v20+s2+$0x0], $0xffff;
	[tilespmem:s26+$0x50] =	vst v21  }
0x96: {  	v20 =	vor.u32 s8, v1;
	[tilespmem:s25+$0xFFFFFF80] =	vst v23;
	v21 =	vld.idx.msk [tilespmem:v26+s2+$0x0], $0xffff;
	v23 =	vor.u32 s24, v12  }
0x97: {  	[tilespmem:s25+$0xFFFFFC00] =	vst v19;
	v19 =	vld.idx.msk [tilespmem:v25+s2+$0x0], $0xffff;
	v25 =	vor.u32 s31, v1  }
0x98: {  	[tilespmem:s25+$0xFFFFFC80] =	vst v18;
	v18 =	vld.idx.msk [tilespmem:v24+s2+$0x0], $0xffff;
	v24 =	vor.u32 s0, v1  }
0x99: {  	v32 =	vor.u32 s23, v15;
	s23 =	smov.u32 s17;
	[tilespmem:s25+$0xFFFFFD00] =	vst v16;
	v26 =	vld.idx.msk [tilespmem:v27+s2+$0x0], $0xffff;
	v27 =	vor.u32 s1, v1  }
0x9a: {  	v16 =	vor.u32 s23, v2;
	v28 =	vld.idx.msk [tilespmem:v28+s2+$0x0], $0xffff;
	[tilespmem:s26+$0x1B0] =	vst v17;
	v17 =	vor.u32 s20, v11  }
0x9b: {  	v33 =	vor.u32 s30, v2;
	[tilespmem:s25+$0xFFFFFD80] =	vst v31;
	v23 =	vld.idx.msk [tilespmem:v23+s2+$0x0], $0xffff  }
0x9c: {  	v31 =	vor.u32 s3, v2;
	v29 =	vld.idx.msk [tilespmem:v29+s2+$0x0], $0xffff;
	[tilespmem:s26+$0x60] =	vst v21  }
0x9d: {  	v21 =	vor.u32 s8, v2;
	v30 =	vld.idx.msk [tilespmem:v30+s2+$0x0], $0xffff;
	[tilespmem:s25+$0xFFFFFE00] =	vst v19;
	v19 =	vor.u32 s24, v13  }
0x9e: {  	v34 =	vor.u32 s31, v2;
	v32 =	vld.idx.msk [tilespmem:v32+s2+$0x0], $0xffff;
	[tilespmem:s26+$0x3A0] =	vst v22  }
0x9f: {  	v35 =	vor.u32 s0, v2;
	[tilespmem:s25+$0xFFFFFF00] =	vst v26;
	v26 =	vld.idx.msk [tilespmem:v17+s2+$0x0], $0xffff  }
0xa0: {  	v36 =	vor.u32 s20, v12;
	[tilespmem:s25+$0xFFFFFC10] =	vst v28;
	v27 =	vld.idx.msk [tilespmem:v27+s2+$0x0], $0xffff;
	v28 =	vor.u32 s1, v2  }
0xa1: {  	v17 =	vor.u32 s23, v3;
	v25 =	vld.idx.msk [tilespmem:v25+s2+$0x0], $0xffff;
	[tilespmem:s26+$0x1C0] =	vst v23  }
0xa2: {  	v23 =	vor.u32 s30, v3;
	[tilespmem:s25+$0xFFFFFC90] =	vst v29;
	v29 =	vld.idx.msk [tilespmem:v19+s2+$0x0], $0xffff  }
0xa3: {  	v33 =	vld.idx.msk [tilespmem:v33+s2+$0x0], $0xffff;
	[tilespmem:s25+$0xFFFFFD10] =	vst v30;
	v30 =	vor.u32 s3, v3  }
0xa4: {  	v22 =	vor.u32 s8, v3;
	v31 =	vld.idx.msk [tilespmem:v31+s2+$0x0], $0xffff;
	[tilespmem:s25+$0xFFFFFE80] =	vst v18;
	v18 =	vor.u32 s24, v14  }
0xa5: {  	v38 =	vor.u32 s22, v15;
	v37 =	vor.u32 s31, v3;
	s22 =	smov.u32 s3;
	v24 =	vld.idx.msk [tilespmem:v24+s2+$0x0], $0xffff;
	[tilespmem:s26+$0x3B0] =	vst v26  }
0xa6: {  	v26 =	vor.u32 s0, v3;
	[tilespmem:s25+$0xFFFFFF10] =	vst v27;
	v27 =	vld.idx.msk [tilespmem:v36+s2+$0x0], $0xffff  }
0xa7: {  	v36 =	vor.u32 s20, v13;
	[tilespmem:s25+$0xFFFFFE10] =	vst v25;
	v25 =	vld.idx.msk [tilespmem:v28+s2+$0x0], $0xffff;
	v28 =	vor.u32 s1, v3  }
0xa8: {  	v19 =	vor.u32 s23, v4;
	v34 =	vld.idx.msk [tilespmem:v34+s2+$0x0], $0xffff;
	[tilespmem:s26+$0x1D0] =	vst v29  }
0xa9: {  	v29 =	vor.u32 s30, v4;
	[tilespmem:s26+$0x70] =	vst v32;
	v32 =	vld.idx.msk [tilespmem:v18+s2+$0x0], $0xffff  }
0xaa: {  	v18 =	vor.u32 s29, v2;
	[tilespmem:s25+$0xFFFFFCA0] =	vst v33;
	v33 =	vor.u32 s22, v4;
	v38 =	vld.idx.msk [tilespmem:v38+s2+$0x0], $0xffff  }
0xab: {  	v39 =	vld.idx.msk [tilespmem:v23+s2+$0x0], $0xffff;
	v23 =	vor.u32 s8, v4;
	[tilespmem:s25+$0xFFFFFE90] =	vst v24;
	v24 =	vor.u32 s24, v15;
	s24 =	smov.u32 s8  }
0xac: {  	v40 =	vor.u32 s31, v4;
	v35 =	vld.idx.msk [tilespmem:v35+s2+$0x0], $0xffff;
	[tilespmem:s26+$0x3C0] =	vst v27  }
0xad: {  	v27 =	vor.u32 s0, v4;
	[tilespmem:s25+$0xFFFFFF20] =	vst v25;
	v25 =	vld.idx.msk [tilespmem:v36+s2+$0x0], $0xffff  }
0xae: {  	v36 =	vor.u32 s20, v14;
	[tilespmem:s25+$0xFFFFFE20] =	vst v34;
	v28 =	vld.idx.msk [tilespmem:v28+s2+$0x0], $0xffff;
	v34 =	vor.u32 s1, v4  }
0xaf: {  	v37 =	vld.idx.msk [tilespmem:v37+s2+$0x0], $0xffff;
	[tilespmem:s26+$0x1E0] =	vst v32  }
0xb0: {  	[tilespmem:s25+$0xFFFFFD20] =	vst v31;
	v24 =	vld.idx.msk [tilespmem:v24+s2+$0x0], $0xffff  }
0xb1: {  	[tilespmem:s25+$0xFFFFFCB0] =	vst v39;
	v30 =	vld.idx.msk [tilespmem:v30+s2+$0x0], $0xffff  }
0xb2: {  	v29 =	vld.idx.msk [tilespmem:v29+s2+$0x0], $0xffff;
	[tilespmem:s25+$0xFFFFFEA0] =	vst v35  }
0xb3: {  	v26 =	vld.idx.msk [tilespmem:v26+s2+$0x0], $0xffff;
	[tilespmem:s26+$0x3D0] =	vst v25  }
0xb4: {  	[tilespmem:s25+$0xFFFFFF30] =	vst v28;
	v25 =	vld.idx.msk [tilespmem:v36+s2+$0x0], $0xffff  }
0xb5: {  	v31 =	vor.u32 s20, v15;
	s20 =	smov.u32 s29;
	[tilespmem:s25+$0xFFFFFE30] =	vst v37;
	v28 =	vld.idx.msk [tilespmem:v34+s2+$0x0], $0xffff  }
0xb6: {  	v32 =	vld.idx.msk [tilespmem:v40+s2+$0x0], $0xffff;
	[tilespmem:s26+$0x1F0] =	vst v24  }
0xb7: {  	v24 =	vor.u32 s1, v5;
	[tilespmem:s25+$0xFFFFFD30] =	vst v30  }
0xb8: {  	v30 =	vor.u32 s31, v5;
	[tilespmem:s25+$0xFFFFFCC0] =	vst v29;
	v29 =	vld.idx.msk [tilespmem:v33+s2+$0x0], $0xffff  }
0xb9: {  	v33 =	vor.u32 s30, v5;
	v20 =	vld.idx.msk [tilespmem:v20+s2+$0x0], $0xffff;
	[tilespmem:s25+$0xFFFFFEB0] =	vst v26  }
0xba: {  	v26 =	vor.u32 s22, v5;
	v27 =	vld.idx.msk [tilespmem:v27+s2+$0x0], $0xffff;
	[tilespmem:s26+$0x3E0] =	vst v25  }
0xbb: {  	[tilespmem:s25+$0xFFFFFF40] =	vst v28;
	v25 =	vld.idx.msk [tilespmem:v31+s2+$0x0], $0xffff  }
0xbc: {  	v28 =	vor.u32 s0, v5;
	[tilespmem:s25+$0xFFFFFE40] =	vst v32;
	v24 =	vld.idx.msk [tilespmem:v24+s2+$0x0], $0xffff  }
0xbd: {  	v30 =	vld.idx.msk [tilespmem:v30+s2+$0x0], $0xffff;
	[tilespmem:s26+$0x170] =	vst v38  }
0xbe: {  	v31 =	vld.idx.msk [tilespmem:v33+s2+$0x0], $0xffff;
	[tilespmem:s25+$0xFFFFFD40] =	vst v29;
	v29 =	vor.u32 s1, v6  }
0xbf: {  	v26 =	vld.idx.msk [tilespmem:v26+s2+$0x0], $0xffff;
	[tilespmem:s25+$0xFFFFFD90] =	vst v20;
	v20 =	vor.u32 s31, v6  }
0xc0: {  	v32 =	vor.u32 s30, v6;
	v21 =	vld.idx.msk [tilespmem:v21+s2+$0x0], $0xffff;
	[tilespmem:s25+$0xFFFFFEC0] =	vst v27  }
0xc1: {  	v27 =	vor.u32 s22, v6;
	v28 =	vld.idx.msk [tilespmem:v28+s2+$0x0], $0xffff;
	[tilespmem:s26+$0x3F0] =	vst v25;
	s26 =	smov.u32 s25  }
0xc2: {  	v16 =	vld.idx.msk [tilespmem:v16+s2+$0x0], $0xffff;
	[tilespmem:s25+$0xFFFFFF50] =	vst v24  }
0xc3: {  	v24 =	vor.u32 s0, v6;
	[tilespmem:s25+$0xFFFFFE50] =	vst v30;
	v25 =	vld.idx.msk [tilespmem:v29+s2+$0x0], $0xffff  }
0xc4: {  	[tilespmem:s25+$0xFFFFFCD0] =	vst v31;
	v20 =	vld.idx.msk [tilespmem:v20+s2+$0x0], $0xffff  }
0xc5: {  	v29 =	vld.idx.msk [tilespmem:v32+s2+$0x0], $0xffff;
	[tilespmem:s25+$0xFFFFFD50] =	vst v26;
	v26 =	vor.u32 s1, v7  }
0xc6: {  	v27 =	vld.idx.msk [tilespmem:v27+s2+$0x0], $0xffff;
	[tilespmem:s25+$0xFFFFFDA0] =	vst v21;
	v21 =	vor.u32 s31, v7  }
0xc7: {  	v30 =	vor.u32 s30, v7;
	v22 =	vld.idx.msk [tilespmem:v22+s2+$0x0], $0xffff;
	[tilespmem:s25+$0xFFFFFED0] =	vst v28  }
0xc8: {  	[tilespmem:s25+$0xFFFFFC20] =	vst v16;
	v16 =	vor.u32 s22, v7;
	v24 =	vld.idx.msk [tilespmem:v24+s2+$0x0], $0xffff  }
0xc9: {  	v17 =	vld.idx.msk [tilespmem:v17+s2+$0x0], $0xffff;
	[tilespmem:s25+$0xFFFFFF60] =	vst v25  }
0xca: {  	[tilespmem:s25+$0xFFFFFE60] =	vst v20;
	v20 =	vor.u32 s0, v7;
	v25 =	vld.idx.msk [tilespmem:v26+s2+$0x0], $0xffff  }
0xcb: {  	[tilespmem:s25+$0xFFFFFCE0] =	vst v29;
	v21 =	vld.idx.msk [tilespmem:v21+s2+$0x0], $0xffff  }
0xcc: {  	v26 =	vld.idx.msk [tilespmem:v30+s2+$0x0], $0xffff;
	[tilespmem:s25+$0xFFFFFD60] =	vst v27;
	v27 =	vor.u32 s1, v8  }
0xcd: {  	v28 =	vld.idx.msk [tilespmem:v16+s2+$0x0], $0xffff;
	[tilespmem:s25+$0xFFFFFDB0] =	vst v22;
	v22 =	vor.u32 s31, v8  }
0xce: {  	v29 =	vor.u32 s30, v8;
	v16 =	vor.u32 s29, v7;
	v23 =	vld.idx.msk [tilespmem:v23+s2+$0x0], $0xffff;
	[tilespmem:s25+$0xFFFFFEE0] =	vst v24  }
0xcf: {  	[tilespmem:s25+$0xFFFFFC30] =	vst v17;
	v17 =	vor.u32 s22, v8;
	v20 =	vld.idx.msk [tilespmem:v20+s2+$0x0], $0xffff  }
0xd0: {  	v24 =	vor.u32 s24, v5;
	v19 =	vld.idx.msk [tilespmem:v19+s2+$0x0], $0xffff;
	[tilespmem:s25+$0xFFFFFF70] =	vst v25  }
0xd1: {  	v25 =	vor.u32 s29, v1;
	[tilespmem:s25+$0xFFFFFE70] =	vst v21;
	v21 =	vld.idx.msk [tilespmem:v27+s2+$0x0], $0xffff  }
0xd2: {  	[tilespmem:s25+$0xFFFFFCF0] =	vst v26;
	v22 =	vld.idx.msk [tilespmem:v22+s2+$0x0], $0xffff;
	v26 =	vor.u32 s0, v8  }
0xd3: {  	v27 =	vld.idx.msk [tilespmem:v29+s2+$0x0], $0xffff;
	[tilespmem:s25+$0xFFFFFD70] =	vst v28;
	v28 =	vor.u32 s1, v9  }
0xd4: {  	v29 =	vld.idx.msk [tilespmem:v17+s2+$0x0], $0xffff;
	[tilespmem:s25+$0xFFFFFDC0] =	vst v23;
	v23 =	vor.u32 s31, v9  }
0xd5: {  	v30 =	vor.u32 s30, v9;
	v17 =	vor.u32 s29, v8;
	v24 =	vld.idx.msk [tilespmem:v24+s2+$0x0], $0xffff;
	[tilespmem:s25+$0xFFFFFEF0] =	vst v20  }
0xd6: {  	[tilespmem:s25+$0xFFFFFC40] =	vst v19;
	v19 =	vor.u32 s22, v9;
	v20 =	vld.idx.msk [tilespmem:v25+s2+$0x0], $0xffff  }
0xd7: {  	v25 =	vor.u32 s23, v5;
	v26 =	vld.idx.msk [tilespmem:v26+s2+$0x0], $0xffff;
	[tilespmem:s25+$0x300] =	vst v21  }
0xd8: {  	v21 =	vor.u32 s24, v6;
	[tilespmem:s25+$0x200] =	vst v22;
	v22 =	vld.idx.msk [tilespmem:v28+s2+$0x0], $0xffff  }
0xd9: {  	[tilespmem:s25+$0x80] =	vst v27;
	v23 =	vld.idx.msk [tilespmem:v23+s2+$0x0], $0xffff  }
0xda: {  	v28 =	vor.u32 s1, v10;
	v27 =	vld.idx.msk [tilespmem:v30+s2+$0x0], $0xffff;
	[tilespmem:s25+$0x100] =	vst v29  }
0xdb: {  	v29 =	vld.idx.msk [tilespmem:v19+s2+$0x0], $0xffff;
	[tilespmem:s25+$0xFFFFFDD0] =	vst v24;
	v24 =	vor.u32 s0, v9  }
0xdc: {  	v30 =	vor.u32 s30, v10;
	v19 =	vor.u32 s29, v9;
	v25 =	vld.idx.msk [tilespmem:v25+s2+$0x0], $0xffff;
	[tilespmem:s25+$0xFFFFFF90] =	vst v20  }
0xdd: {  	v20 =	vor.u32 s22, v10;
	v21 =	vld.idx.msk [tilespmem:v21+s2+$0x0], $0xffff;
	[tilespmem:s25+$0x280] =	vst v26  }
0xde: {  	v26 =	vor.u32 s23, v6;
	[tilespmem:s25+$0x310] =	vst v22;
	v18 =	vld.idx.msk [tilespmem:v18+s2+$0x0], $0xffff  }
0xdf: {  	v22 =	vor.u32 s31, v10;
	[tilespmem:s25+$0x210] =	vst v23;
	v23 =	vld.idx.msk [tilespmem:v28+s2+$0x0], $0xffff  }
0xe0: {  	[tilespmem:s25+$0x90] =	vst v27;
	v24 =	vld.idx.msk [tilespmem:v24+s2+$0x0], $0xffff;
	v27 =	vor.u32 s29, v3  }
0xe1: {  	v28 =	vld.idx.msk [tilespmem:v30+s2+$0x0], $0xffff;
	[tilespmem:s25+$0x110] =	vst v29;
	v29 =	vor.u32 s1, v11  }
0xe2: {  	[tilespmem:s25+$0xFFFFFC50] =	vst v25;
	v20 =	vld.idx.msk [tilespmem:v20+s2+$0x0], $0xffff;
	v25 =	vor.u32 s0, v10  }
0xe3: {  	v30 =	vor.u32 s30, v11;
	v26 =	vld.idx.msk [tilespmem:v26+s2+$0x0], $0xffff;
	[tilespmem:s25+$0xFFFFFDE0] =	vst v21  }
0xe4: {  	v21 =	vor.u32 s24, v7;
	v22 =	vld.idx.msk [tilespmem:v22+s2+$0x0], $0xffff;
	[tilespmem:s25+$0xFFFFFFA0] =	vst v18  }
0xe5: {  	v18 =	vor.u32 s22, v11;
	[tilespmem:s25+$0x320] =	vst v23;
	v23 =	vld.idx.msk [tilespmem:v27+s2+$0x0], $0xffff  }
0xe6: {  	v27 =	vor.u32 s23, v7;
	[tilespmem:s25+$0x290] =	vst v24;
	v24 =	vld.idx.msk [tilespmem:v29+s2+$0x0], $0xffff  }
0xe7: {  	[tilespmem:s25+$0xA0] =	vst v28;
	v25 =	vld.idx.msk [tilespmem:v25+s2+$0x0], $0xffff;
	v28 =	vor.u32 s29, v4  }
0xe8: {  	v29 =	vld.idx.msk [tilespmem:v30+s2+$0x0], $0xffff;
	[tilespmem:s25+$0x120] =	vst v20;
	v20 =	vor.u32 s1, v12  }
0xe9: {  	v30 =	vor.u32 s0, v11;
	v21 =	vld.idx.msk [tilespmem:v21+s2+$0x0], $0xffff  }
0xea: {  	[tilespmem:s25+$0xFFFFFC60] =	vst v26;
	v26 =	vor.u32 s30, v12;
	v18 =	vld.idx.msk [tilespmem:v18+s2+$0x0], $0xffff  }
0xeb: {  	v31 =	vor.u32 s31, v11;
	v27 =	vld.idx.msk [tilespmem:v27+s2+$0x0], $0xffff;
	[tilespmem:s25+$0xFFFFFFB0] =	vst v23  }
0xec: {  	v23 =	vor.u32 s22, v12;
	[tilespmem:s25+$0x330] =	vst v24;
	v24 =	vld.idx.msk [tilespmem:v28+s2+$0x0], $0xffff  }
0xed: {  	v28 =	vor.u32 s23, v8;
	[tilespmem:s25+$0x2A0] =	vst v25;
	v20 =	vld.idx.msk [tilespmem:v20+s2+$0x0], $0xffff  }
0xee: {  	[tilespmem:s25+$0xB0] =	vst v29;
	v25 =	vld.idx.msk [tilespmem:v30+s2+$0x0], $0xffff;
	v29 =	vor.u32 s29, v5  }
0xef: {  	v26 =	vld.idx.msk [tilespmem:v26+s2+$0x0], $0xffff;
	[tilespmem:s25+$0x220] =	vst v22;
	v22 =	vor.u32 s1, v13  }
0xf0: {  	v30 =	vor.u32 s0, v12;
	[tilespmem:s25+$0x130] =	vst v18;
	v18 =	vld.idx.msk [tilespmem:v31+s2+$0x0], $0xffff  }
0xf1: {  	[tilespmem:s25+$0xFFFFFC70] =	vst v27;
	v23 =	vld.idx.msk [tilespmem:v23+s2+$0x0], $0xffff;
	v27 =	vor.u32 s24, v8  }
0xf2: {  	v31 =	vor.u32 s31, v12;
	v28 =	vld.idx.msk [tilespmem:v28+s2+$0x0], $0xffff;
	[tilespmem:s25+$0xFFFFFFC0] =	vst v24  }
0xf3: {  	v24 =	vor.u32 s22, v13;
	[tilespmem:s25+$0x340] =	vst v20;
	v20 =	vld.idx.msk [tilespmem:v29+s2+$0x0], $0xffff  }
0xf4: {  	v29 =	vor.u32 s23, v9;
	[tilespmem:s25+$0x2B0] =	vst v25;
	v22 =	vld.idx.msk [tilespmem:v22+s2+$0x0], $0xffff  }
0xf5: {  	v25 =	vor.u32 s29, v6;
	[tilespmem:s25+$0xFFFFFDF0] =	vst v21;
	v21 =	vld.idx.msk [tilespmem:v30+s2+$0x0], $0xffff  }
0xf6: {  	v27 =	vld.idx.msk [tilespmem:v27+s2+$0x0], $0xffff;
	[tilespmem:s25+$0x230] =	vst v18;
	v18 =	vor.u32 s1, v14  }
0xf7: {  	v30 =	vor.u32 s0, v13;
	[tilespmem:s25+$0x140] =	vst v23;
	v23 =	vld.idx.msk [tilespmem:v31+s2+$0x0], $0xffff  }
0xf8: {  	[tilespmem:s25+$0x0] =	vst v28;
	v24 =	vld.idx.msk [tilespmem:v24+s2+$0x0], $0xffff;
	v28 =	vor.u32 s24, v9  }
0xf9: {  	v31 =	vor.u32 s31, v13;
	v29 =	vld.idx.msk [tilespmem:v29+s2+$0x0], $0xffff;
	[tilespmem:s25+$0xFFFFFFD0] =	vst v20  }
0xfa: {  	v20 =	vor.u32 s30, v13;
	[tilespmem:s25+$0x350] =	vst v22;
	v22 =	vld.idx.msk [tilespmem:v25+s2+$0x0], $0xffff  }
0xfb: {  	v25 =	vor.u32 s23, v10;
	[tilespmem:s25+$0x2C0] =	vst v21;
	v18 =	vld.idx.msk [tilespmem:v18+s2+$0x0], $0xffff  }
0xfc: {  	[tilespmem:s25+$0x180] =	vst v27;
	v21 =	vld.idx.msk [tilespmem:v30+s2+$0x0], $0xffff  }
0xfd: {  	v27 =	vld.idx.msk [tilespmem:v28+s2+$0x0], $0xffff;
	[tilespmem:s25+$0x240] =	vst v23;
	v23 =	vor.u32 s1, v15  }
0xfe: {  	v28 =	vor.u32 s0, v14;
	[tilespmem:s25+$0xC0] =	vst v26;
	v26 =	vld.idx.msk [tilespmem:v31+s2+$0x0], $0xffff  }
0xff: {  	[tilespmem:s25+$0x10] =	vst v29;
	v20 =	vld.idx.msk [tilespmem:v20+s2+$0x0], $0xffff;
	v29 =	vor.u32 s24, v10  }
0x100: {  	v30 =	vor.u32 s31, v14;
	v25 =	vld.idx.msk [tilespmem:v25+s2+$0x0], $0xffff;
	[tilespmem:s25+$0xFFFFFFE0] =	vst v22  }
0x101: {  	v22 =	vor.u32 s30, v14;
	[tilespmem:s25+$0x360] =	vst v18;
	v16 =	vld.idx.msk [tilespmem:v16+s2+$0x0], $0xffff  }
0x102: {  	v18 =	vor.u32 s23, v11;
	[tilespmem:s25+$0x2D0] =	vst v21;
	v21 =	vld.idx.msk [tilespmem:v23+s2+$0x0], $0xffff  }
0x103: {  	[tilespmem:s25+$0x190] =	vst v27;
	v23 =	vld.idx.msk [tilespmem:v28+s2+$0x0], $0xffff  }
0x104: {  	v27 =	vld.idx.msk [tilespmem:v29+s2+$0x0], $0xffff;
	[tilespmem:s25+$0x250] =	vst v26  }
0x105: {  	v26 =	vor.u32 s0, v15;
	[tilespmem:s25+$0xD0] =	vst v20;
	v20 =	vld.idx.msk [tilespmem:v30+s2+$0x0], $0xffff  }
0x106: {  	[tilespmem:s25+$0x20] =	vst v25;
	v22 =	vld.idx.msk [tilespmem:v22+s2+$0x0], $0xffff;
	v25 =	vor.u32 s24, v11  }
0x107: {  	v28 =	vld.idx.msk [tilespmem:v18+s2+$0x0], $0xffff;
	v18 =	vor.u32 s31, v15;
	[tilespmem:s25+$0xFFFFFFF0] =	vst v16  }
0x108: {  	v16 =	vor.u32 s30, v15;
	[tilespmem:s25+$0x370] =	vst v21;
	v21 =	vld.idx.msk [tilespmem:v17+s2+$0x0], $0xffff  }
0x109: {  	v29 =	vor.u32 s23, v12;
	[tilespmem:s25+$0x2E0] =	vst v23  }
0x10a: {  	[tilespmem:s25+$0x1A0] =	vst v27;
	v23 =	vld.idx.msk [tilespmem:v26+s2+$0x0], $0xffff  }
0x10b: {  	v26 =	vor.u32 s22, v14;
	v17 =	vld.idx.msk [tilespmem:v25+s2+$0x0], $0xffff;
	[tilespmem:s25+$0x260] =	vst v20  }
.Ltmp0:
0x10c: {  	[tilespmem:s25+$0xE0] =	vst v22;
	v18 =	vld.idx.msk [tilespmem:v18+s2+$0x0], $0xffff;
	(pc) =	sbr.rel @p1 .LBB2_3-.Ltmp0, $4  }
0x10d: {  	[tilespmem:s25+$0x30] =	vst v28;
	v16 =	vld.idx.msk [tilespmem:v16+s2+$0x0], $0xffff  }
0x10e: {  	v20 =	vld.idx.msk [tilespmem:v29+s2+$0x0], $0xffff;
	[tilespmem:s25+$0x380] =	vst v21  }
0x10f: {  	[tilespmem:s25+$0x150] =	vst v24;
	v22 =	vld.idx.msk [tilespmem:v19+s2+$0x0], $0xffff  }
0x110: {  	s29 =	sadd.s32 $0x10, s29;
	v21 =	vor.u32 s23, v13;
	v19 =	vld.idx.msk [tilespmem:v26+s2+$0x0], $0xffff;
	[tilespmem:s25+$0x2F0] =	vst v23  }
0x111: {  	v23 =	vor.u32 s20, v10;
	_ =	sdelay $0x3  }
0x112: {  	[tilespmem:s26+$0x390] =	vst v22  }
0x113: {  	v22 =	vld.idx.msk [tilespmem:v23+s2+$0x0], $0xffff  }
0x114: {  	v51 =	vor.u32 s20, v11;
	_ =	sdelay $0x3  }
0x115: {  	[tilespmem:s26+$0x3A0] =	vst v22  }
0x116: {  	v24 =	vor.u32 s24, v12;
	v22 =	vld.idx.msk [tilespmem:v51+s2+$0x0], $0xffff  }
0x117: {  	v52 =	vor.u32 s20, v12;
	_ =	sdelay $0x2  }
0x118: {  	[tilespmem:s26+$0x1B0] =	vst v17  }
0x119: {  	v17 =	vld.idx.msk [tilespmem:v24+s2+$0x0], $0xffff;
	[tilespmem:s26+$0x3B0] =	vst v22  }
0x11a: {  	v53 =	vor.u32 s24, v13;
	v22 =	vld.idx.msk [tilespmem:v52+s2+$0x0], $0xffff  }
0x11b: {  	v54 =	vor.u32 s20, v13;
	_ =	sdelay $0x1  }
0x11c: {  	[tilespmem:s26+$0x40] =	vst v20  }
0x11d: {  	v20 =	vld.idx.msk [tilespmem:v21+s2+$0x0], $0xffff;
	[tilespmem:s26+$0x1C0] =	vst v17  }
0x11e: {  	v17 =	vor.u32 s23, v14;
	v55 =	vld.idx.msk [tilespmem:v53+s2+$0x0], $0xffff;
	[tilespmem:s26+$0x3C0] =	vst v22  }
0x11f: {  	v56 =	vor.u32 s24, v14;
	v22 =	vld.idx.msk [tilespmem:v54+s2+$0x0], $0xffff  }
0x120: {  	v57 =	vor.u32 s20, v14;
	_ =	sdelay $0x1  }
0x121: {  	[tilespmem:s26+$0x50] =	vst v20  }
0x122: {  	v60 =	vor.u32 s22, v15;
	v17 =	vld.idx.msk [tilespmem:v17+s2+$0x0], $0xffff;
	[tilespmem:s26+$0x1D0] =	vst v55  }
0x123: {  	v58 =	vor.u32 s23, v15;
	v21 =	vld.idx.msk [tilespmem:v56+s2+$0x0], $0xffff;
	[tilespmem:s26+$0x3D0] =	vst v22  }
0x124: {  	v59 =	vor.u32 s24, v15;
	v23 =	vld.idx.msk [tilespmem:v57+s2+$0x0], $0xffff  }
0x125: {  	v25 =	vor.u32 s20, v15  }
0x126: {  	[tilespmem:s26+$0x160] =	vst v19  }
0x127: {  	v62 =	vld.idx.msk [tilespmem:v60+s2+$0x0], $0xffff;
	[tilespmem:s26+$0x60] =	vst v17  }
0x128: {  	v17 =	vld.idx.msk [tilespmem:v58+s2+$0x0], $0xffff;
	[tilespmem:s26+$0x1E0] =	vst v21  }
0x129: {  	v61 =	vld.idx.msk [tilespmem:v59+s2+$0x0], $0xffff;
	[tilespmem:s26+$0x3E0] =	vst v23  }
0x12a: {  	[tilespmem:s26+$0x270] =	vst v18;
	v63 =	vld.idx.msk [tilespmem:v25+s2+$0x0], $0xffff  }
0x12b: {  	p1 =	sne.s32 s19, $0x19;
	[tilespmem:s26+$0xF0] =	vst v16  }
.Ltmp1:
0x12c: {  	[tilespmem:s26+$0x170] =	vst v62;
	(pc) =	sbr.rel @p1 .LBB2_6-.Ltmp1, $4  }
0x12d: {  	[tilespmem:s26+$0x70] =	vst v17  }
0x12e: {  	s20 =	sshll.u32 s19, $0x11;
	[tilespmem:s26+$0x1F0] =	vst v61  }
0x12f: {  	s0 =	sadd.s32 s20, s5;
	[tilespmem:s26+$0x3F0] =	vst v63  }
0x130: {  	[hbm4b:s0+s11] =	stream.strided.scatter [tilespmem:s13], [sflag:$0x3], $0x4000, s12, s11, $0x38;
	[tilespmem:$0x18000] =	vst v63  }
.Ltmp2:
0x131: {  	(pc) =	sbr.rel .LBB2_7-.Ltmp2, $4  }
0x132: {  	_ = 	snop  }
0x133: {  	_ =	swait.ge [sflag:s14], $0x8000  }
0x134: {  	[sflag:s14] =	ssyncset.done $0x0  }
0x135: {  	[sflag:s14] =	ssyncadd.s32 $0xFFFF8000  }
.LBB2_6:
.Ltmp3:
0x136: {  	s0 =	sadd.s32 s21, s6;
	(pc) =	sbr.rel @p0 .LBB2_8-.Ltmp3, $4  }
0x137: {  	[tilespmem:s2], [sflag:$0x1] =	stream.linear.gather [hbm4b:s0+s2], $0x8000, $0x38;
	[tilespmem:$0x18000] =	vst v63  }
0x138: {  	_ =	swait.ge [sflag:s14], $0x8000  }
0x139: {  	[sflag:s14] =	ssyncset.done $0x0  }
0x13a: {  	[sflag:s14] =	ssyncadd.s32 $0xFFFF8000  }
.LBB2_7:
0x13b: {  	_ =	swait.ge [sflag:s15], $0x4000  }
0x13c: {  	[sflag:s15] =	ssyncset.done $0x0  }
0x13d: {  	[sflag:s15] =	ssyncadd.s32 $0xFFFFC000  }
.LBB2_8:
0x13e: {  	s28 =	simm.s32 $0xC  }
0x13f: {  	s1 =	simm.s32 $0x8;
	v16 =	vor.u32 s28, v0  }
0x140: {  	s0 =	simm.s32 $0x2;
	v17 =	vor.u32 s1, v0  }
0x141: {  	s22 =	simm.s32 $0x4;
	v18 =	vor.u32 s0, v0  }
0x142: {  	s21 =	simm.s32 $0xE;
	v19 =	vor.u32 s22, v0  }
0x143: {  	s26 =	simm.s32 $0xA;
	v20 =	vor.u32 s21, v0  }
0x144: {  	v21 =	vor.u32 s26, v0;
	v16 =	vld.idx.msk [tilespmem:v16+s9+$0x0], $0xffff  }
0x145: {  	v22 =	vor.u32 s28, v1;
	v17 =	vld.idx.msk [tilespmem:v17+s9+$0x0], $0xffff  }
0x146: {  	v23 =	vor.u32 s1, v1;
	v18 =	vld.idx.msk [tilespmem:v18+s9+$0x0], $0xffff  }
0x147: {  	v24 =	vor.u32 s0, v1;
	v19 =	vld.idx.msk [tilespmem:v19+s9+$0x0], $0xffff  }
0x148: {  	s25 =	simm.s32 $0x14400;
	s23 =	simm.s32 $0x0;
	v25 =	vor.u32 s22, v1;
	v20 =	vld.idx.msk [tilespmem:v20+s9+$0x0], $0xffff  }
0x149: {  	v26 =	vor.u32 s23, v0;
	v21 =	vld.idx.msk [tilespmem:v21+s9+$0x0], $0xffff;
	[tilespmem:s25+$0xFFFFFF00] =	vst v16  }
0x14a: {  	v16 =	vor.u32 s26, v1;
	[tilespmem:s25+$0xFFFFFE00] =	vst v17;
	v17 =	vld.idx.msk [tilespmem:v22+s9+$0x0], $0xffff  }
0x14b: {  	[tilespmem:s25+$0xFFFFFC80] =	vst v18;
	v18 =	vor.u32 s28, v2;
	v22 =	vld.idx.msk [tilespmem:v23+s9+$0x0], $0xffff  }
0x14c: {  	[tilespmem:s25+$0xFFFFFD00] =	vst v19;
	v19 =	vld.idx.msk [tilespmem:v24+s9+$0x0], $0xffff;
	v23 =	vor.u32 s1, v2  }
0x14d: {  	v52 =	vor.u32 s0, v2;
	v25 =	vld.idx.msk [tilespmem:v25+s9+$0x0], $0xffff  }
0x14e: {  	s24 =	simm.s32 $0x6;
	v27 =	vor.u32 s22, v2;
	v26 =	vld.idx.msk [tilespmem:v26+s9+$0x0], $0xffff;
	[tilespmem:s25+$0xFFFFFE80] =	vst v21  }
0x14f: {  	v21 =	vor.u32 s24, v0;
	v16 =	vld.idx.msk [tilespmem:v16+s9+$0x0], $0xffff;
	[tilespmem:s25+$0xFFFFFF10] =	vst v17  }
0x150: {  	v17 =	vor.u32 s26, v2;
	[tilespmem:s25+$0xFFFFFE10] =	vst v22;
	v18 =	vld.idx.msk [tilespmem:v18+s9+$0x0], $0xffff  }
0x151: {  	[tilespmem:s25+$0xFFFFFC90] =	vst v19;
	v19 =	vor.u32 s28, v3;
	v22 =	vld.idx.msk [tilespmem:v23+s9+$0x0], $0xffff  }
0x152: {  	v53 =	vor.u32 s1, v3;
	[tilespmem:s25+$0xFFFFFD10] =	vst v25;
	v23 =	vld.idx.msk [tilespmem:v52+s9+$0x0], $0xffff  }
0x153: {  	[tilespmem:s25+$0xFFFFFF80] =	vst v20;
	v20 =	vor.u32 s0, v3;
	v25 =	vld.idx.msk [tilespmem:v27+s9+$0x0], $0xffff  }
0x154: {  	v54 =	vor.u32 s22, v3;
	v21 =	vld.idx.msk [tilespmem:v21+s9+$0x0], $0xffff;
	[tilespmem:s25+$0xFFFFFE90] =	vst v16  }
0x155: {  	v16 =	vor.u32 s23, v1;
	v17 =	vld.idx.msk [tilespmem:v17+s9+$0x0], $0xffff;
	[tilespmem:s25+$0xFFFFFF20] =	vst v18  }
0x156: {  	v18 =	vor.u32 s26, v3;
	[tilespmem:s25+$0xFFFFFE20] =	vst v22;
	v19 =	vld.idx.msk [tilespmem:v19+s9+$0x0], $0xffff  }
0x157: {  	[tilespmem:s25+$0xFFFFFCA0] =	vst v23;
	v22 =	vor.u32 s28, v4;
	v23 =	vld.idx.msk [tilespmem:v53+s9+$0x0], $0xffff  }
0x158: {  	v55 =	vor.u32 s1, v4;
	[tilespmem:s25+$0xFFFFFD20] =	vst v25;
	v20 =	vld.idx.msk [tilespmem:v20+s9+$0x0], $0xffff  }
0x159: {  	v56 =	vor.u32 s0, v4;
	[tilespmem:s25+$0xFFFFFC00] =	vst v26;
	v57 =	vld.idx.msk [tilespmem:v54+s9+$0x0], $0xffff  }
0x15a: {  	v58 =	vor.u32 s22, v4;
	v16 =	vld.idx.msk [tilespmem:v16+s9+$0x0], $0xffff;
	[tilespmem:s25+$0xFFFFFEA0] =	vst v17  }
0x15b: {  	v17 =	vor.u32 s24, v1;
	v18 =	vld.idx.msk [tilespmem:v18+s9+$0x0], $0xffff;
	[tilespmem:s25+$0xFFFFFF30] =	vst v19  }
0x15c: {  	v19 =	vor.u32 s26, v4;
	[tilespmem:s25+$0xFFFFFE30] =	vst v23;
	v22 =	vld.idx.msk [tilespmem:v22+s9+$0x0], $0xffff  }
0x15d: {  	[tilespmem:s25+$0xFFFFFCB0] =	vst v20;
	v23 =	vor.u32 s28, v5;
	v20 =	vld.idx.msk [tilespmem:v55+s9+$0x0], $0xffff  }
0x15e: {  	v60 =	vor.u32 s1, v5;
	[tilespmem:s25+$0xFFFFFD30] =	vst v57;
	v59 =	vld.idx.msk [tilespmem:v56+s9+$0x0], $0xffff  }
0x15f: {  	v61 =	vor.u32 s0, v5;
	[tilespmem:s25+$0xFFFFFD80] =	vst v21;
	v21 =	vld.idx.msk [tilespmem:v58+s9+$0x0], $0xffff  }
0x160: {  	v17 =	vld.idx.msk [tilespmem:v17+s9+$0x0], $0xffff;
	[tilespmem:s25+$0xFFFFFEB0] =	vst v18;
	v18 =	vor.u32 s22, v5  }
0x161: {  	v62 =	vor.u32 s24, v2;
	v19 =	vld.idx.msk [tilespmem:v19+s9+$0x0], $0xffff;
	[tilespmem:s25+$0xFFFFFF40] =	vst v22  }
0x162: {  	[tilespmem:s25+$0xFFFFFE40] =	vst v20;
	v20 =	vor.u32 s26, v5;
	v22 =	vld.idx.msk [tilespmem:v23+s9+$0x0], $0xffff  }
0x163: {  	[tilespmem:s25+$0xFFFFFCC0] =	vst v59;
	v23 =	vor.u32 s23, v2;
	v63 =	vld.idx.msk [tilespmem:v60+s9+$0x0], $0xffff  }
0x164: {  	[tilespmem:s25+$0xFFFFFD40] =	vst v21;
	v21 =	vor.u32 s28, v6;
	v30 =	vld.idx.msk [tilespmem:v61+s9+$0x0], $0xffff  }
0x165: {  	[tilespmem:s25+$0xFFFFFD90] =	vst v17;
	v17 =	vor.u32 s1, v6;
	v18 =	vld.idx.msk [tilespmem:v18+s9+$0x0], $0xffff  }
0x166: {  	v31 =	vor.u32 s0, v6;
	v27 =	vld.idx.msk [tilespmem:v62+s9+$0x0], $0xffff;
	[tilespmem:s25+$0xFFFFFEC0] =	vst v19  }
0x167: {  	[tilespmem:s25+$0xFFFFFC10] =	vst v16;
	v16 =	vor.u32 s22, v6;
	v19 =	vld.idx.msk [tilespmem:v20+s9+$0x0], $0xffff  }
0x168: {  	v20 =	vor.u32 s24, v3;
	v23 =	vld.idx.msk [tilespmem:v23+s9+$0x0], $0xffff;
	[tilespmem:s25+$0xFFFFFF50] =	vst v22  }
0x169: {  	[tilespmem:s25+$0xFFFFFE50] =	vst v63;
	v22 =	vor.u32 s26, v6;
	v21 =	vld.idx.msk [tilespmem:v21+s9+$0x0], $0xffff  }
0x16a: {  	v32 =	vor.u32 s23, v3;
	[tilespmem:s25+$0xFFFFFCD0] =	vst v30;
	v17 =	vld.idx.msk [tilespmem:v17+s9+$0x0], $0xffff  }
0x16b: {  	v25 =	vld.idx.msk [tilespmem:v31+s9+$0x0], $0xffff;
	[tilespmem:s25+$0xFFFFFD50] =	vst v18;
	v18 =	vor.u32 s28, v7  }
0x16c: {  	v33 =	vor.u32 s1, v7;
	[tilespmem:s25+$0xFFFFFDA0] =	vst v27;
	v16 =	vld.idx.msk [tilespmem:v16+s9+$0x0], $0xffff  }
0x16d: {  	v34 =	vor.u32 s0, v7;
	v20 =	vld.idx.msk [tilespmem:v20+s9+$0x0], $0xffff;
	[tilespmem:s25+$0xFFFFFED0] =	vst v19  }
0x16e: {  	v19 =	vor.u32 s22, v7;
	[tilespmem:s25+$0xFFFFFC20] =	vst v23;
	v22 =	vld.idx.msk [tilespmem:v22+s9+$0x0], $0xffff  }
0x16f: {  	v23 =	vor.u32 s24, v4;
	v24 =	vld.idx.msk [tilespmem:v32+s9+$0x0], $0xffff;
	[tilespmem:s25+$0xFFFFFF60] =	vst v21  }
0x170: {  	[tilespmem:s25+$0xFFFFFE60] =	vst v17;
	v17 =	vor.u32 s26, v7;
	v18 =	vld.idx.msk [tilespmem:v18+s9+$0x0], $0xffff  }
0x171: {  	v21 =	vor.u32 s23, v4;
	[tilespmem:s25+$0xFFFFFCE0] =	vst v25;
	v35 =	vld.idx.msk [tilespmem:v33+s9+$0x0], $0xffff  }
0x172: {  	v36 =	vld.idx.msk [tilespmem:v34+s9+$0x0], $0xffff;
	[tilespmem:s25+$0xFFFFFD60] =	vst v16;
	v16 =	vor.u32 s28, v8  }
0x173: {  	v37 =	vor.u32 s0, v8;
	v19 =	vld.idx.msk [tilespmem:v19+s9+$0x0], $0xffff;
	[tilespmem:s25+$0xFFFFFDB0] =	vst v20  }
0x174: {  	v20 =	vor.u32 s1, v8;
	v23 =	vld.idx.msk [tilespmem:v23+s9+$0x0], $0xffff;
	[tilespmem:s25+$0xFFFFFEE0] =	vst v22  }
0x175: {  	v22 =	vor.u32 s22, v8;
	[tilespmem:s25+$0xFFFFFC30] =	vst v24;
	v17 =	vld.idx.msk [tilespmem:v17+s9+$0x0], $0xffff  }
0x176: {  	v38 =	vor.u32 s24, v5;
	v21 =	vld.idx.msk [tilespmem:v21+s9+$0x0], $0xffff;
	[tilespmem:s25+$0xFFFFFF70] =	vst v18  }
0x177: {  	v18 =	vor.u32 s21, v1;
	[tilespmem:s25+$0xFFFFFCF0] =	vst v36;
	v16 =	vld.idx.msk [tilespmem:v16+s9+$0x0], $0xffff  }
0x178: {  	v39 =	vor.u32 s26, v8;
	[tilespmem:s25+$0xFFFFFE70] =	vst v35;
	v26 =	vld.idx.msk [tilespmem:v37+s9+$0x0], $0xffff  }
0x179: {  	v20 =	vld.idx.msk [tilespmem:v20+s9+$0x0], $0xffff;
	[tilespmem:s25+$0xFFFFFD70] =	vst v19;
	v19 =	vor.u32 s28, v9  }
0x17a: {  	v40 =	vor.u32 s0, v9;
	v22 =	vld.idx.msk [tilespmem:v22+s9+$0x0], $0xffff;
	[tilespmem:s25+$0xFFFFFDC0] =	vst v23  }
0x17b: {  	v23 =	vor.u32 s1, v9;
	v24 =	vld.idx.msk [tilespmem:v38+s9+$0x0], $0xffff;
	[tilespmem:s25+$0xFFFFFEF0] =	vst v17  }
0x17c: {  	v17 =	vor.u32 s22, v9;
	[tilespmem:s25+$0xFFFFFC40] =	vst v21;
	v18 =	vld.idx.msk [tilespmem:v18+s9+$0x0], $0xffff  }
0x17d: {  	v21 =	vor.u32 s23, v5;
	v25 =	vld.idx.msk [tilespmem:v39+s9+$0x0], $0xffff;
	[tilespmem:s25+$0x300] =	vst v16  }
0x17e: {  	v16 =	vor.u32 s24, v6;
	[tilespmem:s25+$0x80] =	vst v26;
	v19 =	vld.idx.msk [tilespmem:v19+s9+$0x0], $0xffff  }
0x17f: {  	[tilespmem:s25+$0x200] =	vst v20;
	v20 =	vor.u32 s21, v2;
	v26 =	vld.idx.msk [tilespmem:v40+s9+$0x0], $0xffff  }
0x180: {  	v23 =	vld.idx.msk [tilespmem:v23+s9+$0x0], $0xffff;
	[tilespmem:s25+$0x100] =	vst v22;
	v22 =	vor.u32 s28, v10  }
0x181: {  	v41 =	vor.u32 s26, v9;
	v17 =	vld.idx.msk [tilespmem:v17+s9+$0x0], $0xffff;
	[tilespmem:s25+$0xFFFFFDD0] =	vst v24  }
0x182: {  	v42 =	vor.u32 s0, v10;
	v21 =	vld.idx.msk [tilespmem:v21+s9+$0x0], $0xffff;
	[tilespmem:s25+$0xFFFFFF90] =	vst v18  }
0x183: {  	v18 =	vor.u32 s22, v10;
	[tilespmem:s25+$0x280] =	vst v25;
	v16 =	vld.idx.msk [tilespmem:v16+s9+$0x0], $0xffff  }
0x184: {  	v43 =	vor.u32 s23, v6;
	[tilespmem:s25+$0x310] =	vst v19;
	v19 =	vld.idx.msk [tilespmem:v20+s9+$0x0], $0xffff  }
0x185: {  	v20 =	vor.u32 s1, v10;
	[tilespmem:s25+$0x90] =	vst v26;
	v22 =	vld.idx.msk [tilespmem:v22+s9+$0x0], $0xffff  }
0x186: {  	v44 =	vor.u32 s21, v3;
	[tilespmem:s25+$0x210] =	vst v23;
	v23 =	vld.idx.msk [tilespmem:v41+s9+$0x0], $0xffff  }
0x187: {  	v26 =	vld.idx.msk [tilespmem:v42+s9+$0x0], $0xffff;
	[tilespmem:s25+$0x110] =	vst v17;
	v17 =	vor.u32 s28, v11  }
0x188: {  	v45 =	vor.u32 s0, v11;
	[tilespmem:s25+$0xFFFFFC50] =	vst v21;
	v18 =	vld.idx.msk [tilespmem:v18+s9+$0x0], $0xffff  }
0x189: {  	v21 =	vor.u32 s26, v10;
	v25 =	vld.idx.msk [tilespmem:v43+s9+$0x0], $0xffff;
	[tilespmem:s25+$0xFFFFFDE0] =	vst v16  }
0x18a: {  	v16 =	vor.u32 s24, v7;
	v20 =	vld.idx.msk [tilespmem:v20+s9+$0x0], $0xffff;
	[tilespmem:s25+$0xFFFFFFA0] =	vst v19  }
0x18b: {  	v19 =	vor.u32 s22, v11;
	[tilespmem:s25+$0x320] =	vst v22;
	v22 =	vld.idx.msk [tilespmem:v44+s9+$0x0], $0xffff  }
0x18c: {  	v46 =	vor.u32 s23, v7;
	[tilespmem:s25+$0xA0] =	vst v26;
	v17 =	vld.idx.msk [tilespmem:v17+s9+$0x0], $0xffff  }
0x18d: {  	[tilespmem:s25+$0x290] =	vst v23;
	v23 =	vor.u32 s21, v4;
	v26 =	vld.idx.msk [tilespmem:v45+s9+$0x0], $0xffff  }
0x18e: {  	v21 =	vld.idx.msk [tilespmem:v21+s9+$0x0], $0xffff;
	[tilespmem:s25+$0x120] =	vst v18;
	v18 =	vor.u32 s28, v12  }
0x18f: {  	v48 =	vor.u32 s0, v12;
	v16 =	vld.idx.msk [tilespmem:v16+s9+$0x0], $0xffff;
	[tilespmem:s25+$0xFFFFFC60] =	vst v25  }
0x190: {  	v47 =	vor.u32 s26, v11;
	v19 =	vld.idx.msk [tilespmem:v19+s9+$0x0], $0xffff;
	[tilespmem:s25+$0xFFFFFFB0] =	vst v22  }
0x191: {  	v49 =	vor.u32 s1, v11;
	v22 =	vld.idx.msk [tilespmem:v46+s9+$0x0], $0xffff;
	[tilespmem:s25+$0x330] =	vst v17  }
0x192: {  	v17 =	vor.u32 s22, v12;
	v23 =	vld.idx.msk [tilespmem:v23+s9+$0x0], $0xffff;
	[tilespmem:s25+$0xB0] =	vst v26  }
0x193: {  	[tilespmem:s25+$0x2A0] =	vst v21;
	v21 =	vor.u32 s23, v8;
	v18 =	vld.idx.msk [tilespmem:v18+s9+$0x0], $0xffff  }
0x194: {  	v51 =	vor.u32 s21, v5;
	[tilespmem:s25+$0x220] =	vst v20;
	v20 =	vld.idx.msk [tilespmem:v48+s9+$0x0], $0xffff  }
0x195: {  	v52 =	vor.u32 s28, v13;
	v50 =	vld.idx.msk [tilespmem:v47+s9+$0x0], $0xffff  }
0x196: {  	v53 =	vor.u32 s26, v12;
	[tilespmem:s25+$0x130] =	vst v19;
	v19 =	vld.idx.msk [tilespmem:v49+s9+$0x0], $0xffff  }
0x197: {  	[tilespmem:s25+$0xFFFFFC70] =	vst v22;
	v22 =	vor.u32 s24, v8;
	v17 =	vld.idx.msk [tilespmem:v17+s9+$0x0], $0xffff  }
0x198: {  	[tilespmem:s25+$0xFFFFFFC0] =	vst v23;
	v23 =	vor.u32 s1, v12;
	v21 =	vld.idx.msk [tilespmem:v21+s9+$0x0], $0xffff  }
0x199: {  	[tilespmem:s25+$0x340] =	vst v18;
	v18 =	vor.u32 s22, v13;
	v27 =	vld.idx.msk [tilespmem:v51+s9+$0x0], $0xffff  }
0x19a: {  	v54 =	vor.u32 s23, v9;
	[tilespmem:s25+$0x2B0] =	vst v50;
	v25 =	vld.idx.msk [tilespmem:v52+s9+$0x0], $0xffff  }
0x19b: {  	v55 =	vor.u32 s21, v6;
	[tilespmem:s25+$0xFFFFFDF0] =	vst v16;
	v16 =	vld.idx.msk [tilespmem:v53+s9+$0x0], $0xffff  }
0x19c: {  	v57 =	vor.u32 s0, v13;
	[tilespmem:s25+$0x230] =	vst v19;
	v19 =	vld.idx.msk [tilespmem:v22+s9+$0x0], $0xffff  }
0x19d: {  	v22 =	vor.u32 s28, v14;
	[tilespmem:s25+$0x140] =	vst v17;
	v17 =	vld.idx.msk [tilespmem:v23+s9+$0x0], $0xffff  }
0x19e: {  	v23 =	vor.u32 s26, v13;
	[tilespmem:s25+$0x0] =	vst v21;
	v21 =	vld.idx.msk [tilespmem:v18+s9+$0x0], $0xffff  }
0x19f: {  	v18 =	vor.u32 s24, v9;
	[tilespmem:s25+$0xFFFFFFD0] =	vst v27;
	v26 =	vld.idx.msk [tilespmem:v54+s9+$0x0], $0xffff  }
0x1a0: {  	[tilespmem:s25+$0xC0] =	vst v20;
	v24 =	vld.idx.msk [tilespmem:v55+s9+$0x0], $0xffff  }
0x1a1: {  	v56 =	vor.u32 s1, v13;
	[tilespmem:s25+$0x350] =	vst v25;
	v25 =	vld.idx.msk [tilespmem:v57+s9+$0x0], $0xffff  }
0x1a2: {  	[tilespmem:s25+$0x2C0] =	vst v16;
	v16 =	vor.u32 s23, v10;
	v22 =	vld.idx.msk [tilespmem:v22+s9+$0x0], $0xffff  }
0x1a3: {  	[tilespmem:s25+$0x180] =	vst v19;
	v19 =	vor.u32 s21, v7;
	v23 =	vld.idx.msk [tilespmem:v23+s9+$0x0], $0xffff  }
0x1a4: {  	[tilespmem:s25+$0x240] =	vst v17;
	v17 =	vld.idx.msk [tilespmem:v18+s9+$0x0], $0xffff;
	v18 =	vor.u32 s28, v15  }
0x1a5: {  	v58 =	vor.u32 s26, v14;
	[tilespmem:s25+$0x10] =	vst v26  }
0x1a6: {  	v59 =	vor.u32 s24, v10;
	v20 =	vld.idx.msk [tilespmem:v56+s9+$0x0], $0xffff;
	[tilespmem:s25+$0xFFFFFFE0] =	vst v24  }
0x1a7: {  	v60 =	vor.u32 s1, v14;
	[tilespmem:s25+$0xD0] =	vst v25;
	v16 =	vld.idx.msk [tilespmem:v16+s9+$0x0], $0xffff  }
0x1a8: {  	[tilespmem:s25+$0x360] =	vst v22;
	v22 =	vor.u32 s0, v14;
	v19 =	vld.idx.msk [tilespmem:v19+s9+$0x0], $0xffff  }
0x1a9: {  	[tilespmem:s25+$0x2D0] =	vst v23;
	v23 =	vor.u32 s23, v11;
	v18 =	vld.idx.msk [tilespmem:v18+s9+$0x0], $0xffff  }
0x1aa: {  	[tilespmem:s25+$0x190] =	vst v17;
	v17 =	vor.u32 s21, v8;
	v27 =	vld.idx.msk [tilespmem:v58+s9+$0x0], $0xffff  }
0x1ab: {  	v61 =	vor.u32 s26, v15;
	[tilespmem:s25+$0x250] =	vst v20;
	v20 =	vld.idx.msk [tilespmem:v59+s9+$0x0], $0xffff  }
0x1ac: {  	v24 =	vld.idx.msk [tilespmem:v60+s9+$0x0], $0xffff;
	[tilespmem:s25+$0x20] =	vst v16;
	v16 =	vor.u32 s24, v11  }
0x1ad: {  	v62 =	vor.u32 s1, v15;
	v22 =	vld.idx.msk [tilespmem:v22+s9+$0x0], $0xffff;
	[tilespmem:s25+$0xFFFFFFF0] =	vst v19  }
0x1ae: {  	v19 =	vld.idx.msk [tilespmem:v23+s9+$0x0], $0xffff;
	v23 =	vor.u32 s0, v15;
	[tilespmem:s25+$0x370] =	vst v18  }
0x1af: {  	v30 =	vor.u32 s22, v14;
	v28 =	vld.idx.msk [tilespmem:v17+s9+$0x0], $0xffff;
	[tilespmem:s25+$0x2E0] =	vst v27  }
0x1b0: {  	v29 =	vor.u32 s23, v12;
	[tilespmem:s25+$0x1A0] =	vst v20;
	v25 =	vld.idx.msk [tilespmem:v61+s9+$0x0], $0xffff  }
0x1b1: {  	v63 =	vor.u32 s21, v9;
	[tilespmem:s25+$0x260] =	vst v24;
	v17 =	vld.idx.msk [tilespmem:v16+s9+$0x0], $0xffff  }
0x1b2: {  	v18 =	vld.idx.msk [tilespmem:v62+s9+$0x0], $0xffff;
	[tilespmem:s25+$0xE0] =	vst v22  }
0x1b3: {  	[tilespmem:s25+$0x150] =	vst v21;
	v16 =	vld.idx.msk [tilespmem:v23+s9+$0x0], $0xffff  }
0x1b4: {  	[tilespmem:s25+$0x30] =	vst v19;
	v19 =	vld.idx.msk [tilespmem:v30+s9+$0x0], $0xffff  }
0x1b5: {  	v20 =	vld.idx.msk [tilespmem:v29+s9+$0x0], $0xffff;
	[tilespmem:s25+$0x380] =	vst v28  }
0x1b6: {  	s29 =	simm.s32 $0x1E;
	s26 =	simm.s32 $0x14400;
	s28 =	simm.s32 $0x0;
	v21 =	vor.u32 s23, v13;
	v22 =	vld.idx.msk [tilespmem:v63+s9+$0x0], $0xffff;
	[tilespmem:s25+$0x2F0] =	vst v25  }
.LBB2_9:
0x1b7: {  	s17 =	sadd.s32 $0xFFFFFFF2, s29;
	v23 =	vor.u32 s29, v0;
	s28 =	sadd.s32 $0x8, s28;
	s25 =	sadd.s32 $0x800, s25  }
0x1b8: {  	s30 =	sadd.s32 $0xFFFFFFF4, s29;
	v24 =	vor.u32 s17, v0;
	p0 =	slt.u32 s28, $0x38;
	[tilespmem:s26+$0x270] =	vst v18  }
0x1b9: {  	s3 =	sadd.s32 $0xFFFFFFF6, s29;
	v18 =	vor.u32 s30, v0;
	[tilespmem:s26+$0xF0] =	vst v16  }
0x1ba: {  	s8 =	sadd.s32 $0xFFFFFFF8, s29;
	v16 =	vor.u32 s3, v0;
	[tilespmem:s26+$0x40] =	vst v20  }
0x1bb: {  	s31 =	sadd.s32 $0xFFFFFFFA, s29;
	v20 =	vor.u32 s8, v0;
	v21 =	vld.idx.msk [tilespmem:v21+s9+$0x0], $0xffff;
	[tilespmem:s26+$0x390] =	vst v22;
	v22 =	vor.u32 s21, v10  }
0x1bc: {  	s0 =	sadd.s32 $0xFFFFFFFC, s29;
	v25 =	vor.u32 s31, v0;
	v23 =	vld.idx.msk [tilespmem:v23+s9+$0x0], $0xffff;
	[tilespmem:s26+$0x160] =	vst v19  }
0x1bd: {  	s1 =	sadd.s32 $0xFFFFFFFE, s29;
	v26 =	vor.u32 s23, v14;
	v19 =	vld.idx.msk [tilespmem:v24+s9+$0x0], $0xffff;
	v24 =	vor.u32 s0, v0  }
0x1be: {  	v27 =	vor.u32 s1, v0;
	v18 =	vld.idx.msk [tilespmem:v18+s9+$0x0], $0xffff  }
0x1bf: {  	v28 =	vor.u32 s17, v1;
	v16 =	vld.idx.msk [tilespmem:v16+s9+$0x0], $0xffff  }
0x1c0: {  	v29 =	vor.u32 s30, v1;
	v22 =	vld.idx.msk [tilespmem:v22+s9+$0x0], $0xffff  }
0x1c1: {  	v30 =	vor.u32 s3, v1;
	v31 =	vld.idx.msk [tilespmem:v20+s9+$0x0], $0xffff;
	[tilespmem:s26+$0x50] =	vst v21  }
0x1c2: {  	v20 =	vor.u32 s8, v1;
	[tilespmem:s25+$0xFFFFFF80] =	vst v23;
	v21 =	vld.idx.msk [tilespmem:v26+s9+$0x0], $0xffff;
	v23 =	vor.u32 s24, v12  }
0x1c3: {  	[tilespmem:s25+$0xFFFFFC00] =	vst v19;
	v19 =	vld.idx.msk [tilespmem:v25+s9+$0x0], $0xffff;
	v25 =	vor.u32 s31, v1  }
0x1c4: {  	[tilespmem:s25+$0xFFFFFC80] =	vst v18;
	v18 =	vld.idx.msk [tilespmem:v24+s9+$0x0], $0xffff;
	v24 =	vor.u32 s0, v1  }
0x1c5: {  	v32 =	vor.u32 s23, v15;
	s23 =	smov.u32 s17;
	[tilespmem:s25+$0xFFFFFD00] =	vst v16;
	v26 =	vld.idx.msk [tilespmem:v27+s9+$0x0], $0xffff;
	v27 =	vor.u32 s1, v1  }
0x1c6: {  	v16 =	vor.u32 s23, v2;
	v28 =	vld.idx.msk [tilespmem:v28+s9+$0x0], $0xffff;
	[tilespmem:s26+$0x1B0] =	vst v17;
	v17 =	vor.u32 s21, v11  }
0x1c7: {  	v33 =	vor.u32 s30, v2;
	[tilespmem:s25+$0xFFFFFD80] =	vst v31;
	v23 =	vld.idx.msk [tilespmem:v23+s9+$0x0], $0xffff  }
0x1c8: {  	v31 =	vor.u32 s3, v2;
	v29 =	vld.idx.msk [tilespmem:v29+s9+$0x0], $0xffff;
	[tilespmem:s26+$0x60] =	vst v21  }
0x1c9: {  	v21 =	vor.u32 s8, v2;
	v30 =	vld.idx.msk [tilespmem:v30+s9+$0x0], $0xffff;
	[tilespmem:s25+$0xFFFFFE00] =	vst v19;
	v19 =	vor.u32 s24, v13  }
0x1ca: {  	v34 =	vor.u32 s31, v2;
	v32 =	vld.idx.msk [tilespmem:v32+s9+$0x0], $0xffff;
	[tilespmem:s26+$0x3A0] =	vst v22  }
0x1cb: {  	v35 =	vor.u32 s0, v2;
	[tilespmem:s25+$0xFFFFFF00] =	vst v26;
	v26 =	vld.idx.msk [tilespmem:v17+s9+$0x0], $0xffff  }
0x1cc: {  	v36 =	vor.u32 s21, v12;
	[tilespmem:s25+$0xFFFFFC10] =	vst v28;
	v27 =	vld.idx.msk [tilespmem:v27+s9+$0x0], $0xffff;
	v28 =	vor.u32 s1, v2  }
0x1cd: {  	v17 =	vor.u32 s23, v3;
	v25 =	vld.idx.msk [tilespmem:v25+s9+$0x0], $0xffff;
	[tilespmem:s26+$0x1C0] =	vst v23  }
0x1ce: {  	v23 =	vor.u32 s30, v3;
	[tilespmem:s25+$0xFFFFFC90] =	vst v29;
	v29 =	vld.idx.msk [tilespmem:v19+s9+$0x0], $0xffff  }
0x1cf: {  	v33 =	vld.idx.msk [tilespmem:v33+s9+$0x0], $0xffff;
	[tilespmem:s25+$0xFFFFFD10] =	vst v30;
	v30 =	vor.u32 s3, v3  }
0x1d0: {  	v22 =	vor.u32 s8, v3;
	v31 =	vld.idx.msk [tilespmem:v31+s9+$0x0], $0xffff;
	[tilespmem:s25+$0xFFFFFE80] =	vst v18;
	v18 =	vor.u32 s24, v14  }
0x1d1: {  	v38 =	vor.u32 s22, v15;
	v37 =	vor.u32 s31, v3;
	s22 =	smov.u32 s3;
	v24 =	vld.idx.msk [tilespmem:v24+s9+$0x0], $0xffff;
	[tilespmem:s26+$0x3B0] =	vst v26  }
0x1d2: {  	v26 =	vor.u32 s0, v3;
	[tilespmem:s25+$0xFFFFFF10] =	vst v27;
	v27 =	vld.idx.msk [tilespmem:v36+s9+$0x0], $0xffff  }
0x1d3: {  	v36 =	vor.u32 s21, v13;
	[tilespmem:s25+$0xFFFFFE10] =	vst v25;
	v25 =	vld.idx.msk [tilespmem:v28+s9+$0x0], $0xffff;
	v28 =	vor.u32 s1, v3  }
0x1d4: {  	v19 =	vor.u32 s23, v4;
	v34 =	vld.idx.msk [tilespmem:v34+s9+$0x0], $0xffff;
	[tilespmem:s26+$0x1D0] =	vst v29  }
0x1d5: {  	v29 =	vor.u32 s30, v4;
	[tilespmem:s26+$0x70] =	vst v32;
	v32 =	vld.idx.msk [tilespmem:v18+s9+$0x0], $0xffff  }
0x1d6: {  	v18 =	vor.u32 s29, v2;
	[tilespmem:s25+$0xFFFFFCA0] =	vst v33;
	v33 =	vor.u32 s22, v4;
	v38 =	vld.idx.msk [tilespmem:v38+s9+$0x0], $0xffff  }
0x1d7: {  	v39 =	vld.idx.msk [tilespmem:v23+s9+$0x0], $0xffff;
	v23 =	vor.u32 s8, v4;
	[tilespmem:s25+$0xFFFFFE90] =	vst v24;
	v24 =	vor.u32 s24, v15;
	s24 =	smov.u32 s8  }
0x1d8: {  	v40 =	vor.u32 s31, v4;
	v35 =	vld.idx.msk [tilespmem:v35+s9+$0x0], $0xffff;
	[tilespmem:s26+$0x3C0] =	vst v27  }
0x1d9: {  	v27 =	vor.u32 s0, v4;
	[tilespmem:s25+$0xFFFFFF20] =	vst v25;
	v25 =	vld.idx.msk [tilespmem:v36+s9+$0x0], $0xffff  }
0x1da: {  	v36 =	vor.u32 s21, v14;
	[tilespmem:s25+$0xFFFFFE20] =	vst v34;
	v28 =	vld.idx.msk [tilespmem:v28+s9+$0x0], $0xffff;
	v34 =	vor.u32 s1, v4  }
0x1db: {  	v37 =	vld.idx.msk [tilespmem:v37+s9+$0x0], $0xffff;
	[tilespmem:s26+$0x1E0] =	vst v32  }
0x1dc: {  	[tilespmem:s25+$0xFFFFFD20] =	vst v31;
	v24 =	vld.idx.msk [tilespmem:v24+s9+$0x0], $0xffff  }
0x1dd: {  	[tilespmem:s25+$0xFFFFFCB0] =	vst v39;
	v30 =	vld.idx.msk [tilespmem:v30+s9+$0x0], $0xffff  }
0x1de: {  	v29 =	vld.idx.msk [tilespmem:v29+s9+$0x0], $0xffff;
	[tilespmem:s25+$0xFFFFFEA0] =	vst v35  }
0x1df: {  	v26 =	vld.idx.msk [tilespmem:v26+s9+$0x0], $0xffff;
	[tilespmem:s26+$0x3D0] =	vst v25  }
0x1e0: {  	[tilespmem:s25+$0xFFFFFF30] =	vst v28;
	v25 =	vld.idx.msk [tilespmem:v36+s9+$0x0], $0xffff  }
0x1e1: {  	v31 =	vor.u32 s21, v15;
	s21 =	smov.u32 s29;
	[tilespmem:s25+$0xFFFFFE30] =	vst v37;
	v28 =	vld.idx.msk [tilespmem:v34+s9+$0x0], $0xffff  }
0x1e2: {  	v32 =	vld.idx.msk [tilespmem:v40+s9+$0x0], $0xffff;
	[tilespmem:s26+$0x1F0] =	vst v24  }
0x1e3: {  	v24 =	vor.u32 s1, v5;
	[tilespmem:s25+$0xFFFFFD30] =	vst v30  }
0x1e4: {  	v30 =	vor.u32 s31, v5;
	[tilespmem:s25+$0xFFFFFCC0] =	vst v29;
	v29 =	vld.idx.msk [tilespmem:v33+s9+$0x0], $0xffff  }
0x1e5: {  	v33 =	vor.u32 s30, v5;
	v20 =	vld.idx.msk [tilespmem:v20+s9+$0x0], $0xffff;
	[tilespmem:s25+$0xFFFFFEB0] =	vst v26  }
0x1e6: {  	v26 =	vor.u32 s22, v5;
	v27 =	vld.idx.msk [tilespmem:v27+s9+$0x0], $0xffff;
	[tilespmem:s26+$0x3E0] =	vst v25  }
0x1e7: {  	[tilespmem:s25+$0xFFFFFF40] =	vst v28;
	v25 =	vld.idx.msk [tilespmem:v31+s9+$0x0], $0xffff  }
0x1e8: {  	v28 =	vor.u32 s0, v5;
	[tilespmem:s25+$0xFFFFFE40] =	vst v32;
	v24 =	vld.idx.msk [tilespmem:v24+s9+$0x0], $0xffff  }
0x1e9: {  	v30 =	vld.idx.msk [tilespmem:v30+s9+$0x0], $0xffff;
	[tilespmem:s26+$0x170] =	vst v38  }
0x1ea: {  	v31 =	vld.idx.msk [tilespmem:v33+s9+$0x0], $0xffff;
	[tilespmem:s25+$0xFFFFFD40] =	vst v29;
	v29 =	vor.u32 s1, v6  }
0x1eb: {  	v26 =	vld.idx.msk [tilespmem:v26+s9+$0x0], $0xffff;
	[tilespmem:s25+$0xFFFFFD90] =	vst v20;
	v20 =	vor.u32 s31, v6  }
0x1ec: {  	v32 =	vor.u32 s30, v6;
	v21 =	vld.idx.msk [tilespmem:v21+s9+$0x0], $0xffff;
	[tilespmem:s25+$0xFFFFFEC0] =	vst v27  }
0x1ed: {  	v27 =	vor.u32 s22, v6;
	v28 =	vld.idx.msk [tilespmem:v28+s9+$0x0], $0xffff;
	[tilespmem:s26+$0x3F0] =	vst v25;
	s26 =	smov.u32 s25  }
0x1ee: {  	v16 =	vld.idx.msk [tilespmem:v16+s9+$0x0], $0xffff;
	[tilespmem:s25+$0xFFFFFF50] =	vst v24  }
0x1ef: {  	v24 =	vor.u32 s0, v6;
	[tilespmem:s25+$0xFFFFFE50] =	vst v30;
	v25 =	vld.idx.msk [tilespmem:v29+s9+$0x0], $0xffff  }
0x1f0: {  	[tilespmem:s25+$0xFFFFFCD0] =	vst v31;
	v20 =	vld.idx.msk [tilespmem:v20+s9+$0x0], $0xffff  }
0x1f1: {  	v29 =	vld.idx.msk [tilespmem:v32+s9+$0x0], $0xffff;
	[tilespmem:s25+$0xFFFFFD50] =	vst v26;
	v26 =	vor.u32 s1, v7  }
0x1f2: {  	v27 =	vld.idx.msk [tilespmem:v27+s9+$0x0], $0xffff;
	[tilespmem:s25+$0xFFFFFDA0] =	vst v21;
	v21 =	vor.u32 s31, v7  }
0x1f3: {  	v30 =	vor.u32 s30, v7;
	v22 =	vld.idx.msk [tilespmem:v22+s9+$0x0], $0xffff;
	[tilespmem:s25+$0xFFFFFED0] =	vst v28  }
0x1f4: {  	[tilespmem:s25+$0xFFFFFC20] =	vst v16;
	v16 =	vor.u32 s22, v7;
	v24 =	vld.idx.msk [tilespmem:v24+s9+$0x0], $0xffff  }
0x1f5: {  	v17 =	vld.idx.msk [tilespmem:v17+s9+$0x0], $0xffff;
	[tilespmem:s25+$0xFFFFFF60] =	vst v25  }
0x1f6: {  	[tilespmem:s25+$0xFFFFFE60] =	vst v20;
	v20 =	vor.u32 s0, v7;
	v25 =	vld.idx.msk [tilespmem:v26+s9+$0x0], $0xffff  }
0x1f7: {  	[tilespmem:s25+$0xFFFFFCE0] =	vst v29;
	v21 =	vld.idx.msk [tilespmem:v21+s9+$0x0], $0xffff  }
0x1f8: {  	v26 =	vld.idx.msk [tilespmem:v30+s9+$0x0], $0xffff;
	[tilespmem:s25+$0xFFFFFD60] =	vst v27;
	v27 =	vor.u32 s1, v8  }
0x1f9: {  	v28 =	vld.idx.msk [tilespmem:v16+s9+$0x0], $0xffff;
	[tilespmem:s25+$0xFFFFFDB0] =	vst v22;
	v22 =	vor.u32 s31, v8  }
0x1fa: {  	v29 =	vor.u32 s30, v8;
	v16 =	vor.u32 s29, v7;
	v23 =	vld.idx.msk [tilespmem:v23+s9+$0x0], $0xffff;
	[tilespmem:s25+$0xFFFFFEE0] =	vst v24  }
0x1fb: {  	[tilespmem:s25+$0xFFFFFC30] =	vst v17;
	v17 =	vor.u32 s22, v8;
	v20 =	vld.idx.msk [tilespmem:v20+s9+$0x0], $0xffff  }
0x1fc: {  	v24 =	vor.u32 s24, v5;
	v19 =	vld.idx.msk [tilespmem:v19+s9+$0x0], $0xffff;
	[tilespmem:s25+$0xFFFFFF70] =	vst v25  }
0x1fd: {  	v25 =	vor.u32 s29, v1;
	[tilespmem:s25+$0xFFFFFE70] =	vst v21;
	v21 =	vld.idx.msk [tilespmem:v27+s9+$0x0], $0xffff  }
0x1fe: {  	[tilespmem:s25+$0xFFFFFCF0] =	vst v26;
	v22 =	vld.idx.msk [tilespmem:v22+s9+$0x0], $0xffff;
	v26 =	vor.u32 s0, v8  }
0x1ff: {  	v27 =	vld.idx.msk [tilespmem:v29+s9+$0x0], $0xffff;
	[tilespmem:s25+$0xFFFFFD70] =	vst v28;
	v28 =	vor.u32 s1, v9  }
0x200: {  	v29 =	vld.idx.msk [tilespmem:v17+s9+$0x0], $0xffff;
	[tilespmem:s25+$0xFFFFFDC0] =	vst v23;
	v23 =	vor.u32 s31, v9  }
0x201: {  	v30 =	vor.u32 s30, v9;
	v17 =	vor.u32 s29, v8;
	v24 =	vld.idx.msk [tilespmem:v24+s9+$0x0], $0xffff;
	[tilespmem:s25+$0xFFFFFEF0] =	vst v20  }
0x202: {  	[tilespmem:s25+$0xFFFFFC40] =	vst v19;
	v19 =	vor.u32 s22, v9;
	v20 =	vld.idx.msk [tilespmem:v25+s9+$0x0], $0xffff  }
0x203: {  	v25 =	vor.u32 s23, v5;
	v26 =	vld.idx.msk [tilespmem:v26+s9+$0x0], $0xffff;
	[tilespmem:s25+$0x300] =	vst v21  }
0x204: {  	v21 =	vor.u32 s24, v6;
	[tilespmem:s25+$0x200] =	vst v22;
	v22 =	vld.idx.msk [tilespmem:v28+s9+$0x0], $0xffff  }
0x205: {  	[tilespmem:s25+$0x80] =	vst v27;
	v23 =	vld.idx.msk [tilespmem:v23+s9+$0x0], $0xffff  }
0x206: {  	v28 =	vor.u32 s1, v10;
	v27 =	vld.idx.msk [tilespmem:v30+s9+$0x0], $0xffff;
	[tilespmem:s25+$0x100] =	vst v29  }
0x207: {  	v29 =	vld.idx.msk [tilespmem:v19+s9+$0x0], $0xffff;
	[tilespmem:s25+$0xFFFFFDD0] =	vst v24;
	v24 =	vor.u32 s0, v9  }
0x208: {  	v30 =	vor.u32 s30, v10;
	v19 =	vor.u32 s29, v9;
	v25 =	vld.idx.msk [tilespmem:v25+s9+$0x0], $0xffff;
	[tilespmem:s25+$0xFFFFFF90] =	vst v20  }
0x209: {  	v20 =	vor.u32 s22, v10;
	v21 =	vld.idx.msk [tilespmem:v21+s9+$0x0], $0xffff;
	[tilespmem:s25+$0x280] =	vst v26  }
0x20a: {  	v26 =	vor.u32 s23, v6;
	[tilespmem:s25+$0x310] =	vst v22;
	v18 =	vld.idx.msk [tilespmem:v18+s9+$0x0], $0xffff  }
0x20b: {  	v22 =	vor.u32 s31, v10;
	[tilespmem:s25+$0x210] =	vst v23;
	v23 =	vld.idx.msk [tilespmem:v28+s9+$0x0], $0xffff  }
0x20c: {  	[tilespmem:s25+$0x90] =	vst v27;
	v24 =	vld.idx.msk [tilespmem:v24+s9+$0x0], $0xffff;
	v27 =	vor.u32 s29, v3  }
0x20d: {  	v28 =	vld.idx.msk [tilespmem:v30+s9+$0x0], $0xffff;
	[tilespmem:s25+$0x110] =	vst v29;
	v29 =	vor.u32 s1, v11  }
0x20e: {  	[tilespmem:s25+$0xFFFFFC50] =	vst v25;
	v20 =	vld.idx.msk [tilespmem:v20+s9+$0x0], $0xffff;
	v25 =	vor.u32 s0, v10  }
0x20f: {  	v30 =	vor.u32 s30, v11;
	v26 =	vld.idx.msk [tilespmem:v26+s9+$0x0], $0xffff;
	[tilespmem:s25+$0xFFFFFDE0] =	vst v21  }
0x210: {  	v21 =	vor.u32 s24, v7;
	v22 =	vld.idx.msk [tilespmem:v22+s9+$0x0], $0xffff;
	[tilespmem:s25+$0xFFFFFFA0] =	vst v18  }
0x211: {  	v18 =	vor.u32 s22, v11;
	[tilespmem:s25+$0x320] =	vst v23;
	v23 =	vld.idx.msk [tilespmem:v27+s9+$0x0], $0xffff  }
0x212: {  	v27 =	vor.u32 s23, v7;
	[tilespmem:s25+$0x290] =	vst v24;
	v24 =	vld.idx.msk [tilespmem:v29+s9+$0x0], $0xffff  }
0x213: {  	[tilespmem:s25+$0xA0] =	vst v28;
	v25 =	vld.idx.msk [tilespmem:v25+s9+$0x0], $0xffff;
	v28 =	vor.u32 s29, v4  }
0x214: {  	v29 =	vld.idx.msk [tilespmem:v30+s9+$0x0], $0xffff;
	[tilespmem:s25+$0x120] =	vst v20;
	v20 =	vor.u32 s1, v12  }
0x215: {  	v30 =	vor.u32 s0, v11;
	v21 =	vld.idx.msk [tilespmem:v21+s9+$0x0], $0xffff  }
0x216: {  	[tilespmem:s25+$0xFFFFFC60] =	vst v26;
	v26 =	vor.u32 s30, v12;
	v18 =	vld.idx.msk [tilespmem:v18+s9+$0x0], $0xffff  }
0x217: {  	v31 =	vor.u32 s31, v11;
	v27 =	vld.idx.msk [tilespmem:v27+s9+$0x0], $0xffff;
	[tilespmem:s25+$0xFFFFFFB0] =	vst v23  }
0x218: {  	v23 =	vor.u32 s22, v12;
	[tilespmem:s25+$0x330] =	vst v24;
	v24 =	vld.idx.msk [tilespmem:v28+s9+$0x0], $0xffff  }
0x219: {  	v28 =	vor.u32 s23, v8;
	[tilespmem:s25+$0x2A0] =	vst v25;
	v20 =	vld.idx.msk [tilespmem:v20+s9+$0x0], $0xffff  }
0x21a: {  	[tilespmem:s25+$0xB0] =	vst v29;
	v25 =	vld.idx.msk [tilespmem:v30+s9+$0x0], $0xffff;
	v29 =	vor.u32 s29, v5  }
0x21b: {  	v26 =	vld.idx.msk [tilespmem:v26+s9+$0x0], $0xffff;
	[tilespmem:s25+$0x220] =	vst v22;
	v22 =	vor.u32 s1, v13  }
0x21c: {  	v30 =	vor.u32 s0, v12;
	[tilespmem:s25+$0x130] =	vst v18;
	v18 =	vld.idx.msk [tilespmem:v31+s9+$0x0], $0xffff  }
0x21d: {  	[tilespmem:s25+$0xFFFFFC70] =	vst v27;
	v23 =	vld.idx.msk [tilespmem:v23+s9+$0x0], $0xffff;
	v27 =	vor.u32 s24, v8  }
0x21e: {  	v31 =	vor.u32 s31, v12;
	v28 =	vld.idx.msk [tilespmem:v28+s9+$0x0], $0xffff;
	[tilespmem:s25+$0xFFFFFFC0] =	vst v24  }
0x21f: {  	v24 =	vor.u32 s22, v13;
	[tilespmem:s25+$0x340] =	vst v20;
	v20 =	vld.idx.msk [tilespmem:v29+s9+$0x0], $0xffff  }
0x220: {  	v29 =	vor.u32 s23, v9;
	[tilespmem:s25+$0x2B0] =	vst v25;
	v22 =	vld.idx.msk [tilespmem:v22+s9+$0x0], $0xffff  }
0x221: {  	v25 =	vor.u32 s29, v6;
	[tilespmem:s25+$0xFFFFFDF0] =	vst v21;
	v21 =	vld.idx.msk [tilespmem:v30+s9+$0x0], $0xffff  }
0x222: {  	v27 =	vld.idx.msk [tilespmem:v27+s9+$0x0], $0xffff;
	[tilespmem:s25+$0x230] =	vst v18;
	v18 =	vor.u32 s1, v14  }
0x223: {  	v30 =	vor.u32 s0, v13;
	[tilespmem:s25+$0x140] =	vst v23;
	v23 =	vld.idx.msk [tilespmem:v31+s9+$0x0], $0xffff  }
0x224: {  	[tilespmem:s25+$0x0] =	vst v28;
	v24 =	vld.idx.msk [tilespmem:v24+s9+$0x0], $0xffff;
	v28 =	vor.u32 s24, v9  }
0x225: {  	v31 =	vor.u32 s31, v13;
	v29 =	vld.idx.msk [tilespmem:v29+s9+$0x0], $0xffff;
	[tilespmem:s25+$0xFFFFFFD0] =	vst v20  }
0x226: {  	v20 =	vor.u32 s30, v13;
	[tilespmem:s25+$0x350] =	vst v22;
	v22 =	vld.idx.msk [tilespmem:v25+s9+$0x0], $0xffff  }
0x227: {  	v25 =	vor.u32 s23, v10;
	[tilespmem:s25+$0x2C0] =	vst v21;
	v18 =	vld.idx.msk [tilespmem:v18+s9+$0x0], $0xffff  }
0x228: {  	[tilespmem:s25+$0x180] =	vst v27;
	v21 =	vld.idx.msk [tilespmem:v30+s9+$0x0], $0xffff  }
0x229: {  	v27 =	vld.idx.msk [tilespmem:v28+s9+$0x0], $0xffff;
	[tilespmem:s25+$0x240] =	vst v23;
	v23 =	vor.u32 s1, v15  }
0x22a: {  	v28 =	vor.u32 s0, v14;
	[tilespmem:s25+$0xC0] =	vst v26;
	v26 =	vld.idx.msk [tilespmem:v31+s9+$0x0], $0xffff  }
0x22b: {  	[tilespmem:s25+$0x10] =	vst v29;
	v20 =	vld.idx.msk [tilespmem:v20+s9+$0x0], $0xffff;
	v29 =	vor.u32 s24, v10  }
0x22c: {  	v30 =	vor.u32 s31, v14;
	v25 =	vld.idx.msk [tilespmem:v25+s9+$0x0], $0xffff;
	[tilespmem:s25+$0xFFFFFFE0] =	vst v22  }
0x22d: {  	v22 =	vor.u32 s30, v14;
	[tilespmem:s25+$0x360] =	vst v18;
	v16 =	vld.idx.msk [tilespmem:v16+s9+$0x0], $0xffff  }
0x22e: {  	v18 =	vor.u32 s23, v11;
	[tilespmem:s25+$0x2D0] =	vst v21;
	v21 =	vld.idx.msk [tilespmem:v23+s9+$0x0], $0xffff  }
0x22f: {  	[tilespmem:s25+$0x190] =	vst v27;
	v23 =	vld.idx.msk [tilespmem:v28+s9+$0x0], $0xffff  }
0x230: {  	v27 =	vld.idx.msk [tilespmem:v29+s9+$0x0], $0xffff;
	[tilespmem:s25+$0x250] =	vst v26  }
0x231: {  	v26 =	vor.u32 s0, v15;
	[tilespmem:s25+$0xD0] =	vst v20;
	v20 =	vld.idx.msk [tilespmem:v30+s9+$0x0], $0xffff  }
0x232: {  	[tilespmem:s25+$0x20] =	vst v25;
	v22 =	vld.idx.msk [tilespmem:v22+s9+$0x0], $0xffff;
	v25 =	vor.u32 s24, v11  }
0x233: {  	v28 =	vld.idx.msk [tilespmem:v18+s9+$0x0], $0xffff;
	v18 =	vor.u32 s31, v15;
	[tilespmem:s25+$0xFFFFFFF0] =	vst v16  }
0x234: {  	v16 =	vor.u32 s30, v15;
	[tilespmem:s25+$0x370] =	vst v21;
	v21 =	vld.idx.msk [tilespmem:v17+s9+$0x0], $0xffff  }
0x235: {  	v29 =	vor.u32 s23, v12;
	[tilespmem:s25+$0x2E0] =	vst v23  }
0x236: {  	[tilespmem:s25+$0x1A0] =	vst v27;
	v23 =	vld.idx.msk [tilespmem:v26+s9+$0x0], $0xffff  }
0x237: {  	v26 =	vor.u32 s22, v14;
	v17 =	vld.idx.msk [tilespmem:v25+s9+$0x0], $0xffff;
	[tilespmem:s25+$0x260] =	vst v20  }
.Ltmp4:
0x238: {  	[tilespmem:s25+$0xE0] =	vst v22;
	v18 =	vld.idx.msk [tilespmem:v18+s9+$0x0], $0xffff;
	(pc) =	sbr.rel @p0 .LBB2_9-.Ltmp4, $4  }
0x239: {  	[tilespmem:s25+$0x30] =	vst v28;
	v16 =	vld.idx.msk [tilespmem:v16+s9+$0x0], $0xffff  }
0x23a: {  	v20 =	vld.idx.msk [tilespmem:v29+s9+$0x0], $0xffff;
	[tilespmem:s25+$0x380] =	vst v21  }
0x23b: {  	[tilespmem:s25+$0x150] =	vst v24;
	v22 =	vld.idx.msk [tilespmem:v19+s9+$0x0], $0xffff  }
0x23c: {  	s29 =	sadd.s32 $0x10, s29;
	v21 =	vor.u32 s23, v13;
	v19 =	vld.idx.msk [tilespmem:v26+s9+$0x0], $0xffff;
	[tilespmem:s25+$0x2F0] =	vst v23  }
0x23d: {  	v23 =	vor.u32 s21, v10;
	_ =	sdelay $0x3  }
0x23e: {  	[tilespmem:s26+$0x390] =	vst v22  }
0x23f: {  	v22 =	vld.idx.msk [tilespmem:v23+s9+$0x0], $0xffff  }
0x240: {  	v51 =	vor.u32 s21, v11;
	_ =	sdelay $0x3  }
0x241: {  	[tilespmem:s26+$0x3A0] =	vst v22  }
0x242: {  	v24 =	vor.u32 s24, v12;
	v22 =	vld.idx.msk [tilespmem:v51+s9+$0x0], $0xffff  }
0x243: {  	v52 =	vor.u32 s21, v12;
	_ =	sdelay $0x2  }
0x244: {  	[tilespmem:s26+$0x1B0] =	vst v17  }
0x245: {  	v17 =	vld.idx.msk [tilespmem:v24+s9+$0x0], $0xffff;
	[tilespmem:s26+$0x3B0] =	vst v22  }
0x246: {  	v53 =	vor.u32 s24, v13;
	v22 =	vld.idx.msk [tilespmem:v52+s9+$0x0], $0xffff  }
0x247: {  	v54 =	vor.u32 s21, v13;
	_ =	sdelay $0x1  }
0x248: {  	[tilespmem:s26+$0x40] =	vst v20  }
0x249: {  	v20 =	vld.idx.msk [tilespmem:v21+s9+$0x0], $0xffff;
	[tilespmem:s26+$0x1C0] =	vst v17  }
0x24a: {  	v17 =	vor.u32 s23, v14;
	v55 =	vld.idx.msk [tilespmem:v53+s9+$0x0], $0xffff;
	[tilespmem:s26+$0x3C0] =	vst v22  }
0x24b: {  	v56 =	vor.u32 s24, v14;
	v22 =	vld.idx.msk [tilespmem:v54+s9+$0x0], $0xffff  }
0x24c: {  	v57 =	vor.u32 s21, v14;
	_ =	sdelay $0x1  }
0x24d: {  	[tilespmem:s26+$0x50] =	vst v20  }
0x24e: {  	v60 =	vor.u32 s22, v15;
	v17 =	vld.idx.msk [tilespmem:v17+s9+$0x0], $0xffff;
	[tilespmem:s26+$0x1D0] =	vst v55  }
0x24f: {  	v58 =	vor.u32 s23, v15;
	v21 =	vld.idx.msk [tilespmem:v56+s9+$0x0], $0xffff;
	[tilespmem:s26+$0x3D0] =	vst v22  }
0x250: {  	v59 =	vor.u32 s24, v15;
	v23 =	vld.idx.msk [tilespmem:v57+s9+$0x0], $0xffff  }
0x251: {  	v25 =	vor.u32 s21, v15  }
0x252: {  	[tilespmem:s26+$0x160] =	vst v19  }
0x253: {  	v62 =	vld.idx.msk [tilespmem:v60+s9+$0x0], $0xffff;
	[tilespmem:s26+$0x60] =	vst v17  }
0x254: {  	v17 =	vld.idx.msk [tilespmem:v58+s9+$0x0], $0xffff;
	[tilespmem:s26+$0x1E0] =	vst v21  }
0x255: {  	v61 =	vld.idx.msk [tilespmem:v59+s9+$0x0], $0xffff;
	[tilespmem:s26+$0x3E0] =	vst v23  }
0x256: {  	[tilespmem:s26+$0x270] =	vst v18;
	s19 =	sadd.s32 $0x1, s19;
	v63 =	vld.idx.msk [tilespmem:v25+s9+$0x0], $0xffff  }
0x257: {  	[tilespmem:s26+$0xF0] =	vst v16;
	p0 =	sne.s32 s19, $0x1A  }
.Ltmp5:
0x258: {  	[tilespmem:s26+$0x170] =	vst v62;
	(pc) =	sbr.rel @p0 .LBB2_2-.Ltmp5, $4  }
0x259: {  	[tilespmem:s26+$0x70] =	vst v17  }
0x25a: {  	[tilespmem:s26+$0x1F0] =	vst v61  }
0x25b: {  	s0 =	sadd.s32 s20, s7;
	[tilespmem:s26+$0x3F0] =	vst v63  }
0x25c: {  	[hbm4b:s0+s11] =	stream.strided.scatter [tilespmem:s16], [sflag:$0x4], $0x4000, s12, s11, $0x38;
	[tilespmem:$0x18000] =	vst v63  }
0x25d: {  	s0 =	simm.s32 $0x3  }
0x25e: {  	_ =	swait.ge [sflag:s0], $0x4000  }
0x25f: {  	[sflag:s0] =	ssyncset.done $0x0  }
0x260: {  	[sflag:s0] =	ssyncadd.s32 $0xFFFFC000  }
0x261: {  	_ =	swait.ge [sflag:s15], $0x4000  }
0x262: {  	s18 =	sadd.s32 $0x1, s18;
	s31 =	rddreg [dreg:$0x4]  }
0x263: {  	p0 =	sne.s32 s18, s31  }
.Ltmp6:
0x264: {  	_ = 	snop;
	(pc) =	sbr.rel @p0 .LBB2_1-.Ltmp6, $3  }
0x265: {  	_ =	sdelay $0x1  }
0x266: {  	[sflag:s15] =	ssyncset.done $0x0  }
0x267: {  	[sflag:s15] =	ssyncadd.s32 $0xFFFFC000  }
0x268: {  	_ =	sfence.sel $0x180000  }
0x269: {  	[bflag:$0x0] =	sbarrier.arrive $0xFFFF  }
0x26a: {  	_ =	strace $0x90000047  }
0x26b: {  	s0 =	stileid.u32;
	[bflag:$0x2] =	sbarrier.arrive $0xFFFF  }
0x26c: {  	p0 =	sne.s32 s0, $0x0;
	s0 =	rddreg [dreg:$0x2]  }
0x26d: {  	s0 =	sadd.s32 @!p0 $0x100000, s0  }
0x26e: {  	[sflag:s0] =	ssyncadd.tile.s32 @!p0 $0x1;
	_ =	shalt  }
.Lfunc_end2:
_tile_overlayer_lowered:
.L_overlay_start_2:
0x26f: {  	(tag) =	ssettag $0x2  }
0x270: {  	s0 =	rddreg [dreg:$0x0];
	s2 =	stileid.u32  }
0x271: {  	s1 =	rddreg [dreg:$0x1];
	p0 =	sne.s32 s2, $0x0  }
0x272: {  	s3 =	rddreg [dreg:$0x2];
	[bflag:$0x3] =	sbarrier.arrive $0xFFFF;
	s2 =	simm.s32 @!p0 $0x1C05  }
0x273: {  	[timem:s3], [sflag:s2] =	dma.local @!p0 [hbm:s0], s1  }
0x274: {  	s0 =	simm.s32 @!p0 $0x5  }
0x275: {  	_ =	swait.ge @!p0 [sflag:s0], s1  }
0x276: {  	s1 =	ssub.s32 @!p0 $0x0, s1;
	[sflag:s0] =	ssyncset.done @!p0 $0x0  }
0x277: {  	[sflag:s0] =	ssyncadd.s32 @!p0 s1  }
0x278: {  	[bflag:$0x3] =	sbarrier.arrive $0xFFFF  }
0x279: {  	_ =	shalt  }

</sc_bundles>
